<compile_context>
chip_gen: v7x
topology: tpu7x:2x2x1
jax: 0.10.2.dev20260603
libtpu: 0.0.44.dev20260713+nightly
codegen_flags: <defaults>
</compile_context>

<pallas_src>
import functools

import jax
import jax.numpy as jnp
from jax import lax
from jax.experimental import pallas as pl
from jax.experimental.pallas import tpu as pltpu
from jax.experimental.pallas import tpu_sc as plsc

N = 100000
NHID = 128
NC = 2
NS = 16
NW = NC * NS
C = 128
FULL = N // C
CPW = FULL // NW
EXTRA = FULL - CPW * NW
TAIL_ROWS = N - FULL * C
TAILW = NW - 1
KMAX = CPW + 1

_mesh = plsc.VectorSubcoreMesh(core_axis_name="c", subcore_axis_name="s")


@functools.partial(
    pl.kernel,
    out_type=jax.ShapeDtypeStruct((N, NHID), jnp.float32),
    mesh=_mesh,
    scratch_types=[
        pltpu.VMEM((KMAX * C,), jnp.int32),
        pltpu.VMEM((C, NHID), jnp.float32),
        pltpu.VMEM((C, NHID), jnp.float32),
        pltpu.VMEM((C, NHID), jnp.float32),
        pltpu.VMEM((C, NHID), jnp.float32),
        pltpu.VMEM((C, NHID), jnp.float32),
        pltpu.VMEM((C, NHID), jnp.float32),
        pltpu.SemaphoreType.DMA,
        pltpu.SemaphoreType.DMA,
        pltpu.SemaphoreType.DMA,
        pltpu.SemaphoreType.DMA,
        pltpu.SemaphoreType.DMA,
        pltpu.SemaphoreType.DMA,
    ],
)
def _wl_pe(h_hbm, idx_hbm, w_hbm, out_hbm,
           idx_v, r0b, r1b, r2b, g0, g1, g2, s0, s1, s2, t0, t1, t2):
    wid = lax.axis_index("s") * NC + lax.axis_index("c")
    b0 = jnp.where(
        wid < EXTRA, KMAX * wid, KMAX * EXTRA + CPW * (wid - EXTRA)
    ).astype(jnp.int32)

    @pl.when(wid < EXTRA)
    def _load_idx_25():
        src = pl.ds(pl.multiple_of(b0 * C, C), KMAX * C)
        pltpu.sync_copy(idx_hbm.at[src], idx_v)

    @pl.when(wid >= EXTRA)
    def _load_idx_24():
        src = pl.ds(pl.multiple_of(b0 * C, C), CPW * C)
        pltpu.sync_copy(idx_hbm.at[src], idx_v.at[pl.ds(0, CPW * C)])

    @pl.when(wid == TAILW)
    def _load_idx_tail():
        src = pl.ds(pl.multiple_of(FULL * C, C), TAIL_ROWS)
        pltpu.sync_copy(idx_hbm.at[src], idx_v.at[pl.ds(CPW * C, TAIL_ROWS)])

    rb, gb = (r0b, r1b, r2b), (g0, g1, g2)
    sb, tb = (s0, s1, s2), (t0, t1, t2)

    def row0_of(k):
        return pl.multiple_of((b0 + k) * C, C)

    def start_in(k, b):
        r0 = row0_of(k)
        pltpu.async_copy(h_hbm.at[pl.ds(r0, C)], rb[b], sb[b])
        idx_ref = idx_v.at[pl.ds(k * C, C)]
        pltpu.async_copy(w_hbm.at[idx_ref], gb[b], sb[b])

    def wait_in(b):
        pltpu.make_async_copy(h_hbm.at[pl.ds(0, C)], rb[b], sb[b]).wait()
        pltpu.make_async_copy(h_hbm.at[pl.ds(0, C)], gb[b], sb[b]).wait()

    def add(b, rows=C):
        def add_row(r, carry):
            for j in range(NHID // 16):
                sl = pl.ds(j * 16, 16)
                plsc.addupdate(rb[b].at[r, sl], gb[b][r, sl])
            return carry

        lax.fori_loop(0, rows, add_row, 0)

    def start_out(k, b):
        pltpu.async_copy(rb[b], out_hbm.at[pl.ds(row0_of(k), C)], tb[b])

    def wait_out(b):
        pltpu.make_async_copy(h_hbm.at[pl.ds(0, C)], rb[b], tb[b]).wait()

    start_in(0, 0)
    start_in(1, 1)
    wait_in(0)
    add(0)
    start_out(0, 0)
    start_in(2, 2)

    def step(k, b):
        wait_in(b)
        add(b)
        start_out(k, b)
        b2 = (b + 2) % 3
        wait_out(b2)
        start_in(k + 2, b2)

    def triple(i, carry):
        k = 3 * i + 1
        step(k, 1)
        step(k + 1, 2)
        step(k + 2, 0)
        return carry

    lax.fori_loop(0, (CPW - 3) // 3, triple, 0)

    wait_in(1)
    add(1)
    start_out(CPW - 2, 1)
    wait_out(0)

    @pl.when(wid < EXTRA)
    def _start_extra():
        start_in(CPW, 0)

    wait_in(2)
    add(2)
    start_out(CPW - 1, 2)

    @pl.when(wid < EXTRA)
    def _finish_extra():
        wait_in(0)
        add(0)
        start_out(CPW, 0)
        wait_out(0)

    @pl.when(wid == TAILW)
    def _tail():
        r0 = pl.multiple_of(FULL * C, C)
        t = pl.ds(0, TAIL_ROWS)
        pltpu.sync_copy(h_hbm.at[pl.ds(r0, TAIL_ROWS)], r0b.at[t])
        idx_ref = idx_v.at[pl.ds(CPW * C, TAIL_ROWS)]
        pltpu.async_copy(w_hbm.at[idx_ref], g0.at[t], s0).wait()
        add(0, rows=TAIL_ROWS)
        pltpu.sync_copy(r0b.at[t], out_hbm.at[pl.ds(r0, TAIL_ROWS)])

    wait_out(1)
    wait_out(2)


def kernel(h, precomputed_eigenvectors, proj_weight):
    idx = precomputed_eigenvectors.astype(jnp.int32)
    return _wl_pe(h, idx, proj_weight)

# --- scband reference (transcript-rebuilt; emitter-appended) ---
"""Pipeline reference for scband-wlpositional-encoding-9122510537110 (READ-ONLY COPY).

The authoritative reference and input builder live on the scoring server;
editing this copy changes nothing except your own understanding.
"""

import jax, jax.numpy as jnp
import numpy as np

K = 100000
NHID = 128
N = 100000

def setup_inputs(seed: int = 0) -> dict:
    key = jax.random.key(seed)
    k1, k2, k3 = jax.random.split(key, 3)
    h = jax.random.normal(k1, (N, NHID), dtype=jnp.float32)
    precomputed_eigenvectors = jax.random.randint(k2, (N,), 0, K, dtype=jnp.int64)
    # learned embedding table (nn.Embedding weight), default init ~ N(0,1)
    proj_weight = jax.random.normal(k3, (K, NHID), dtype=jnp.float32)
    return {"h": h, "precomputed_eigenvectors": precomputed_eigenvectors, "proj_weight": proj_weight}

def reference(h, precomputed_eigenvectors, proj_weight):
    # encoding = self.proj(precomputed_eigenvectors)
    encoding = jnp.take(proj_weight, precomputed_eigenvectors, axis=0)
    # h = h + encoding
    out = h + encoding
    # dropout is identity in eval mode (deterministic reference)
    return out

if __name__ == "__main__":
    import jax
    _d = setup_inputs()
    print(jax.jit(kernel)(*tuple(_d.values())))

</pallas_src>

<mosaic_0001>
#map = affine_map<(d0, d1) -> (0, 0)>
#map1 = affine_map<(d0, d1) -> (0)>
module attributes {stable_mosaic.version = 14 : i64} {
  func.func @_wl_pe(%arg0: i32, %arg1: i32, %arg2: memref<100000x128xf32, #tpu.memory_space<hbm>>, %arg3: memref<100000xi32, #tpu.memory_space<hbm>>, %arg4: memref<100000x128xf32, #tpu.memory_space<hbm>>, %arg5: memref<100000x128xf32, #tpu.memory_space<hbm>>, %arg6: memref<3200xi32, #tpu.memory_space<vmem>>, %arg7: memref<128x128xf32, #tpu.memory_space<vmem>>, %arg8: memref<128x128xf32, #tpu.memory_space<vmem>>, %arg9: memref<128x128xf32, #tpu.memory_space<vmem>>, %arg10: memref<128x128xf32, #tpu.memory_space<vmem>>, %arg11: memref<128x128xf32, #tpu.memory_space<vmem>>, %arg12: memref<128x128xf32, #tpu.memory_space<vmem>>, %arg13: memref<!tpu.dma_semaphore, #tpu.memory_space<semaphore_mem>>, %arg14: memref<!tpu.dma_semaphore, #tpu.memory_space<semaphore_mem>>, %arg15: memref<!tpu.dma_semaphore, #tpu.memory_space<semaphore_mem>>, %arg16: memref<!tpu.dma_semaphore, #tpu.memory_space<semaphore_mem>>, %arg17: memref<!tpu.dma_semaphore, #tpu.memory_space<semaphore_mem>>, %arg18: memref<!tpu.dma_semaphore, #tpu.memory_space<semaphore_mem>>) attributes {dimension_semantics = [#tpu.dimension_semantics<core_parallel>, #tpu.dimension_semantics<subcore_parallel>], iteration_bounds = array<i64: 2, 16>, scalar_prefetch = 0 : i64, scratch_operands = 13 : i64, tpu.core_type = #tpu.core_type<sc_vector_subcore>, window_params = [{transform_indices = #map}, {transform_indices = #map1}, {transform_indices = #map}, {transform_indices = #map}]} {
    %mul3A = arith.constant 2 : i32
    %mul3A_0 = arith.muli %arg1, %mul3A : i32
    %add3A = arith.addi %mul3A_0, %arg0 : i32
    %lt3A = arith.constant 13 : i32
    %lt3A_1 = arith.cmpi slt, %add3A, %lt3A : i32
    %mul3A_2 = arith.constant 25 : i32
    %mul3A_3 = arith.muli %mul3A_2, %add3A : i32
    %sub3A = arith.constant 13 : i32
    %sub3A_4 = arith.subi %add3A, %sub3A : i32
    %mul3A_5 = arith.constant 24 : i32
    %mul3A_6 = arith.muli %mul3A_5, %sub3A_4 : i32
    %add3A_7 = arith.constant 325 : i32
    %add3A_8 = arith.addi %add3A_7, %mul3A_6 : i32
    %select_n3A = arith.select %lt3A_1, %mul3A_3, %add3A_8 : i32
    %lt3A_9 = arith.constant 13 : i32
    %lt3A_10 = arith.cmpi slt, %add3A, %lt3A_9 : i32
    %convert_element_type3A = arith.extui %lt3A_10 : i1 to i32
    %cond3A = arith.constant 0 : i32
    %cond3A_11 = arith.cmpi ne, %convert_element_type3A, %cond3A : i32
    scf.if %cond3A_11 {
      %mul3A_178 = arith.constant 128 : i32
      %mul3A_179 = arith.muli %select_n3A, %mul3A_178 : i32
      %multiple_of3A_180 = tpu.assume_multiple %mul3A_179, 128 : i32
      "tpu.region"() ({
        %run_scoped3A = tpu.sem_alloc : memref<!tpu.dma_semaphore, #tpu.memory_space<semaphore_mem>>
        %dma_start3A_181 = tpu.memref_slice %arg3[%multiple_of3A_180] : memref<100000xi32, #tpu.memory_space<hbm>> -> memref<3200xi32, #tpu.memory_space<hbm>>
        %dma_start3A_182 = tpu.memref_slice %arg3[%multiple_of3A_180] : memref<100000xi32, #tpu.memory_space<hbm>> -> memref<3200xi32, #tpu.memory_space<hbm>>
        tpu.enqueue_dma source(%dma_start3A_182 : memref<3200xi32, #tpu.memory_space<hbm>>) target(%arg6 : memref<3200xi32, #tpu.memory_space<vmem>>) target_semaphore(%run_scoped3A : memref<!tpu.dma_semaphore, #tpu.memory_space<semaphore_mem>>)
        %dma_wait3A_183 = tpu.memref_slice %arg3[%multiple_of3A_180] : memref<100000xi32, #tpu.memory_space<hbm>> -> memref<3200xi32, #tpu.memory_space<hbm>>
        %dma_wait3A_184 = tpu.memref_slice %arg3[%multiple_of3A_180] : memref<100000xi32, #tpu.memory_space<hbm>> -> memref<3200xi32, #tpu.memory_space<hbm>>
        tpu.wait_dma2 semaphore(%run_scoped3A : memref<!tpu.dma_semaphore, #tpu.memory_space<semaphore_mem>>) src(%dma_wait3A_184 : memref<3200xi32, #tpu.memory_space<hbm>>) dst(%arg6 : memref<3200xi32, #tpu.memory_space<vmem>>)
        tpu.yield
      }) : () -> ()
    } else {
    }
    %ge3A = arith.constant 13 : i32
    %ge3A_12 = arith.cmpi sge, %add3A, %ge3A : i32
    %convert_element_type3A_13 = arith.extui %ge3A_12 : i1 to i32
    %cond3A_14 = arith.constant 0 : i32
    %cond3A_15 = arith.cmpi ne, %convert_element_type3A_13, %cond3A_14 : i32
    scf.if %cond3A_15 {
      %mul3A_178 = arith.constant 128 : i32
      %mul3A_179 = arith.muli %select_n3A, %mul3A_178 : i32
      %multiple_of3A_180 = tpu.assume_multiple %mul3A_179, 128 : i32
      "tpu.region"() ({
        %run_scoped3A = tpu.sem_alloc : memref<!tpu.dma_semaphore, #tpu.memory_space<semaphore_mem>>
        %dma_start3A_181 = arith.constant 0 : i32
        %dma_start3A_182 = tpu.memref_slice %arg6[%dma_start3A_181] : memref<3200xi32, #tpu.memory_space<vmem>> -> memref<3072xi32, #tpu.memory_space<vmem>>
        %dma_start3A_183 = tpu.memref_slice %arg3[%multiple_of3A_180] : memref<100000xi32, #tpu.memory_space<hbm>> -> memref<3072xi32, #tpu.memory_space<hbm>>
        %dma_start3A_184 = arith.constant 0 : i32
        %dma_start3A_185 = tpu.memref_slice %arg6[%dma_start3A_184] : memref<3200xi32, #tpu.memory_space<vmem>> -> memref<3072xi32, #tpu.memory_space<vmem>>
        %dma_start3A_186 = tpu.memref_slice %arg3[%multiple_of3A_180] : memref<100000xi32, #tpu.memory_space<hbm>> -> memref<3072xi32, #tpu.memory_space<hbm>>
        tpu.enqueue_dma source(%dma_start3A_186 : memref<3072xi32, #tpu.memory_space<hbm>>) target(%dma_start3A_185 : memref<3072xi32, #tpu.memory_space<vmem>>) target_semaphore(%run_scoped3A : memref<!tpu.dma_semaphore, #tpu.memory_space<semaphore_mem>>)
        %dma_wait3A_187 = arith.constant 0 : i32
        %dma_wait3A_188 = tpu.memref_slice %arg6[%dma_wait3A_187] : memref<3200xi32, #tpu.memory_space<vmem>> -> memref<3072xi32, #tpu.memory_space<vmem>>
        %dma_wait3A_189 = tpu.memref_slice %arg3[%multiple_of3A_180] : memref<100000xi32, #tpu.memory_space<hbm>> -> memref<3072xi32, #tpu.memory_space<hbm>>
        %dma_wait3A_190 = arith.constant 0 : i32
        %dma_wait3A_191 = tpu.memref_slice %arg6[%dma_wait3A_190] : memref<3200xi32, #tpu.memory_space<vmem>> -> memref<3072xi32, #tpu.memory_space<vmem>>
        %dma_wait3A_192 = tpu.memref_slice %arg3[%multiple_of3A_180] : memref<100000xi32, #tpu.memory_space<hbm>> -> memref<3072xi32, #tpu.memory_space<hbm>>
        tpu.wait_dma2 semaphore(%run_scoped3A : memref<!tpu.dma_semaphore, #tpu.memory_space<semaphore_mem>>) src(%dma_wait3A_192 : memref<3072xi32, #tpu.memory_space<hbm>>) dst(%dma_wait3A_191 : memref<3072xi32, #tpu.memory_space<vmem>>)
        tpu.yield
      }) : () -> ()
    } else {
    }
    %eq3A = arith.constant 31 : i32
    %eq3A_16 = arith.cmpi eq, %add3A, %eq3A : i32
    %convert_element_type3A_17 = arith.extui %eq3A_16 : i1 to i32
    %cond3A_18 = arith.constant 0 : i32
    %cond3A_19 = arith.cmpi ne, %convert_element_type3A_17, %cond3A_18 : i32
    scf.if %cond3A_19 {
      %multiple_of3A_178 = arith.constant 99968 : i32
      %multiple_of3A_179 = tpu.assume_multiple %multiple_of3A_178, 128 : i32
      "tpu.region"() ({
        %run_scoped3A = tpu.sem_alloc : memref<!tpu.dma_semaphore, #tpu.memory_space<semaphore_mem>>
        %dma_start3A_180 = arith.constant 3072 : i32
        %dma_start3A_181 = tpu.memref_slice %arg6[%dma_start3A_180] : memref<3200xi32, #tpu.memory_space<vmem>> -> memref<32xi32, #tpu.memory_space<vmem>>
        %dma_start3A_182 = tpu.memref_slice %arg3[%multiple_of3A_179] : memref<100000xi32, #tpu.memory_space<hbm>> -> memref<32xi32, #tpu.memory_space<hbm>>
        %dma_start3A_183 = arith.constant 3072 : i32
        %dma_start3A_184 = tpu.memref_slice %arg6[%dma_start3A_183] : memref<3200xi32, #tpu.memory_space<vmem>> -> memref<32xi32, #tpu.memory_space<vmem>>
        %dma_start3A_185 = tpu.memref_slice %arg3[%multiple_of3A_179] : memref<100000xi32, #tpu.memory_space<hbm>> -> memref<32xi32, #tpu.memory_space<hbm>>
        tpu.enqueue_dma source(%dma_start3A_185 : memref<32xi32, #tpu.memory_space<hbm>>) target(%dma_start3A_184 : memref<32xi32, #tpu.memory_space<vmem>>) target_semaphore(%run_scoped3A : memref<!tpu.dma_semaphore, #tpu.memory_space<semaphore_mem>>)
        %dma_wait3A_186 = arith.constant 3072 : i32
        %dma_wait3A_187 = tpu.memref_slice %arg6[%dma_wait3A_186] : memref<3200xi32, #tpu.memory_space<vmem>> -> memref<32xi32, #tpu.memory_space<vmem>>
        %dma_wait3A_188 = tpu.memref_slice %arg3[%multiple_of3A_179] : memref<100000xi32, #tpu.memory_space<hbm>> -> memref<32xi32, #tpu.memory_space<hbm>>
        %dma_wait3A_189 = arith.constant 3072 : i32
        %dma_wait3A_190 = tpu.memref_slice %arg6[%dma_wait3A_189] : memref<3200xi32, #tpu.memory_space<vmem>> -> memref<32xi32, #tpu.memory_space<vmem>>
        %dma_wait3A_191 = tpu.memref_slice %arg3[%multiple_of3A_179] : memref<100000xi32, #tpu.memory_space<hbm>> -> memref<32xi32, #tpu.memory_space<hbm>>
        tpu.wait_dma2 semaphore(%run_scoped3A : memref<!tpu.dma_semaphore, #tpu.memory_space<semaphore_mem>>) src(%dma_wait3A_191 : memref<32xi32, #tpu.memory_space<hbm>>) dst(%dma_wait3A_190 : memref<32xi32, #tpu.memory_space<vmem>>)
        tpu.yield
      }) : () -> ()
    } else {
    }
    %add3A_20 = arith.constant 0 : i32
    %add3A_21 = arith.addi %select_n3A, %add3A_20 : i32
    %mul3A_22 = arith.constant 128 : i32
    %mul3A_23 = arith.muli %add3A_21, %mul3A_22 : i32
    %multiple_of3A = tpu.assume_multiple %mul3A_23, 128 : i32
    %dma_start3A = arith.constant 0 : i32
    %dma_start3A_24 = tpu.memref_slice %arg2[%multiple_of3A, %dma_start3A] : memref<100000x128xf32, #tpu.memory_space<hbm>> -> memref<128x128xf32, #tpu.memory_space<hbm>>
    %dma_start3A_25 = arith.constant 0 : i32
    %dma_start3A_26 = tpu.memref_slice %arg2[%multiple_of3A, %dma_start3A_25] : memref<100000x128xf32, #tpu.memory_space<hbm>> -> memref<128x128xf32, #tpu.memory_space<hbm>>
    tpu.enqueue_dma source(%dma_start3A_26 : memref<128x128xf32, #tpu.memory_space<hbm>>) target(%arg7 : memref<128x128xf32, #tpu.memory_space<vmem>>) target_semaphore(%arg13 : memref<!tpu.dma_semaphore, #tpu.memory_space<semaphore_mem>>)
    %dma_start3A_27 = arith.constant 0 : i32
    %dma_start3A_28 = tpu.memref_slice %arg6[%dma_start3A_27] : memref<3200xi32, #tpu.memory_space<vmem>> -> memref<128xi32, #tpu.memory_space<vmem>>
    %dma_start3A_29 = arith.constant 0 : i32
    %dma_start3A_30 = arith.constant 0 : i32
    %dma_start3A_31 = tpu.memref_slice %arg4[%dma_start3A_29, %dma_start3A_30] : memref<100000x128xf32, #tpu.memory_space<hbm>> -> memref<100000x128xf32, #tpu.memory_space<hbm>>
    tpu.enqueue_indirect_dma source(%dma_start3A_31 : memref<100000x128xf32, #tpu.memory_space<hbm>>) target(%arg10 : memref<128x128xf32, #tpu.memory_space<vmem>>) offsets(%dma_start3A_28 : memref<128xi32, #tpu.memory_space<vmem>>) semaphore(%arg13 : memref<!tpu.dma_semaphore, #tpu.memory_space<semaphore_mem>>)
    %add3A_32 = arith.constant 1 : i32
    %add3A_33 = arith.addi %select_n3A, %add3A_32 : i32
    %mul3A_34 = arith.constant 128 : i32
    %mul3A_35 = arith.muli %add3A_33, %mul3A_34 : i32
    %multiple_of3A_36 = tpu.assume_multiple %mul3A_35, 128 : i32
    %dma_start3A_37 = arith.constant 0 : i32
    %dma_start3A_38 = tpu.memref_slice %arg2[%multiple_of3A_36, %dma_start3A_37] : memref<100000x128xf32, #tpu.memory_space<hbm>> -> memref<128x128xf32, #tpu.memory_space<hbm>>
    %dma_start3A_39 = arith.constant 0 : i32
    %dma_start3A_40 = tpu.memref_slice %arg2[%multiple_of3A_36, %dma_start3A_39] : memref<100000x128xf32, #tpu.memory_space<hbm>> -> memref<128x128xf32, #tpu.memory_space<hbm>>
    tpu.enqueue_dma source(%dma_start3A_40 : memref<128x128xf32, #tpu.memory_space<hbm>>) target(%arg8 : memref<128x128xf32, #tpu.memory_space<vmem>>) target_semaphore(%arg14 : memref<!tpu.dma_semaphore, #tpu.memory_space<semaphore_mem>>)
    %dma_start3A_41 = arith.constant 128 : i32
    %dma_start3A_42 = tpu.memref_slice %arg6[%dma_start3A_41] : memref<3200xi32, #tpu.memory_space<vmem>> -> memref<128xi32, #tpu.memory_space<vmem>>
    %dma_start3A_43 = arith.constant 0 : i32
    %dma_start3A_44 = arith.constant 0 : i32
    %dma_start3A_45 = tpu.memref_slice %arg4[%dma_start3A_43, %dma_start3A_44] : memref<100000x128xf32, #tpu.memory_space<hbm>> -> memref<100000x128xf32, #tpu.memory_space<hbm>>
    tpu.enqueue_indirect_dma source(%dma_start3A_45 : memref<100000x128xf32, #tpu.memory_space<hbm>>) target(%arg11 : memref<128x128xf32, #tpu.memory_space<vmem>>) offsets(%dma_start3A_42 : memref<128xi32, #tpu.memory_space<vmem>>) semaphore(%arg14 : memref<!tpu.dma_semaphore, #tpu.memory_space<semaphore_mem>>)
    %dma_wait3A = arith.constant 0 : i32
    %dma_wait3A_46 = arith.constant 0 : i32
    %dma_wait3A_47 = tpu.memref_slice %arg2[%dma_wait3A, %dma_wait3A_46] : memref<100000x128xf32, #tpu.memory_space<hbm>> -> memref<128x128xf32, #tpu.memory_space<hbm>>
    %dma_wait3A_48 = arith.constant 0 : i32
    %dma_wait3A_49 = arith.constant 0 : i32
    %dma_wait3A_50 = tpu.memref_slice %arg2[%dma_wait3A_48, %dma_wait3A_49] : memref<100000x128xf32, #tpu.memory_space<hbm>> -> memref<128x128xf32, #tpu.memory_space<hbm>>
    tpu.wait_dma2 semaphore(%arg13 : memref<!tpu.dma_semaphore, #tpu.memory_space<semaphore_mem>>) src(%dma_wait3A_50 : memref<128x128xf32, #tpu.memory_space<hbm>>) dst(%arg7 : memref<128x128xf32, #tpu.memory_space<vmem>>)
    %dma_wait3A_51 = arith.constant 0 : i32
    %dma_wait3A_52 = arith.constant 0 : i32
    %dma_wait3A_53 = tpu.memref_slice %arg2[%dma_wait3A_51, %dma_wait3A_52] : memref<100000x128xf32, #tpu.memory_space<hbm>> -> memref<128x128xf32, #tpu.memory_space<hbm>>
    %dma_wait3A_54 = arith.constant 0 : i32
    %dma_wait3A_55 = arith.constant 0 : i32
    %dma_wait3A_56 = tpu.memref_slice %arg2[%dma_wait3A_54, %dma_wait3A_55] : memref<100000x128xf32, #tpu.memory_space<hbm>> -> memref<128x128xf32, #tpu.memory_space<hbm>>
    tpu.wait_dma2 semaphore(%arg13 : memref<!tpu.dma_semaphore, #tpu.memory_space<semaphore_mem>>) src(%dma_wait3A_56 : memref<128x128xf32, #tpu.memory_space<hbm>>) dst(%arg10 : memref<128x128xf32, #tpu.memory_space<vmem>>)
    %scan3A = arith.constant 0 : i32
    %scan3A_57 = arith.constant 0 : i32
    %scan3A_58 = arith.constant 128 : i32
    %scan3A_59 = arith.addi %scan3A_57, %scan3A_58 : i32
    %scan3A_60 = arith.constant 1 : i32
    scf.for %scan3A_178 = %scan3A_57 to %scan3A_59 step %scan3A_60  : i32 {
      %get3A = arith.index_cast %scan3A_178 : i32 to index
      %get3A_179 = arith.constant 0 : index
      %get3A_180 = tpu.vector_load %arg10[%get3A, %get3A_179] {strides = array<i32>} : memref<128x128xf32, #tpu.memory_space<vmem>>, vector<1x16xf32>,
      %get3A_181 = vector.shape_cast %get3A_180 : vector<1x16xf32> to vector<16xf32>
      %swap3A = arith.index_cast %scan3A_178 : i32 to index
      %swap3A_182 = arith.constant 0 : index
      %swap3A_183 = tpu.vector_load %arg7[%swap3A, %swap3A_182] {strides = array<i32>} : memref<128x128xf32, #tpu.memory_space<vmem>>, vector<1x16xf32>,
      %swap3A_184 = vector.shape_cast %swap3A_183 : vector<1x16xf32> to vector<16xf32>
      %swap3A_185 = vector.shape_cast %get3A_181 : vector<16xf32> to vector<1x16xf32>
      tpu.vector_store %arg7[%swap3A, %swap3A_182], %swap3A_185 {add = true, strides = array<i32>} : memref<128x128xf32, #tpu.memory_space<vmem>>, vector<1x16xf32>,
      %get3A_186 = arith.index_cast %scan3A_178 : i32 to index
      %get3A_187 = arith.constant 16 : index
      %get3A_188 = tpu.vector_load %arg10[%get3A_186, %get3A_187] {strides = array<i32>} : memref<128x128xf32, #tpu.memory_space<vmem>>, vector<1x16xf32>,
      %get3A_189 = vector.shape_cast %get3A_188 : vector<1x16xf32> to vector<16xf32>
      %swap3A_190 = arith.index_cast %scan3A_178 : i32 to index
      %swap3A_191 = arith.constant 16 : index
      %swap3A_192 = tpu.vector_load %arg7[%swap3A_190, %swap3A_191] {strides = array<i32>} : memref<128x128xf32, #tpu.memory_space<vmem>>, vector<1x16xf32>,
      %swap3A_193 = vector.shape_cast %swap3A_192 : vector<1x16xf32> to vector<16xf32>
      %swap3A_194 = vector.shape_cast %get3A_189 : vector<16xf32> to vector<1x16xf32>
      tpu.vector_store %arg7[%swap3A_190, %swap3A_191], %swap3A_194 {add = true, strides = array<i32>} : memref<128x128xf32, #tpu.memory_space<vmem>>, vector<1x16xf32>,
      %get3A_195 = arith.index_cast %scan3A_178 : i32 to index
      %get3A_196 = arith.constant 32 : index
      %get3A_197 = tpu.vector_load %arg10[%get3A_195, %get3A_196] {strides = array<i32>} : memref<128x128xf32, #tpu.memory_space<vmem>>, vector<1x16xf32>,
      %get3A_198 = vector.shape_cast %get3A_197 : vector<1x16xf32> to vector<16xf32>
      %swap3A_199 = arith.index_cast %scan3A_178 : i32 to index
      %swap3A_200 = arith.constant 32 : index
      %swap3A_201 = tpu.vector_load %arg7[%swap3A_199, %swap3A_200] {strides = array<i32>} : memref<128x128xf32, #tpu.memory_space<vmem>>, vector<1x16xf32>,
      %swap3A_202 = vector.shape_cast %swap3A_201 : vector<1x16xf32> to vector<16xf32>
      %swap3A_203 = vector.shape_cast %get3A_198 : vector<16xf32> to vector<1x16xf32>
      tpu.vector_store %arg7[%swap3A_199, %swap3A_200], %swap3A_203 {add = true, strides = array<i32>} : memref<128x128xf32, #tpu.memory_space<vmem>>, vector<1x16xf32>,
      %get3A_204 = arith.index_cast %scan3A_178 : i32 to index
      %get3A_205 = arith.constant 48 : index
      %get3A_206 = tpu.vector_load %arg10[%get3A_204, %get3A_205] {strides = array<i32>} : memref<128x128xf32, #tpu.memory_space<vmem>>, vector<1x16xf32>,
      %get3A_207 = vector.shape_cast %get3A_206 : vector<1x16xf32> to vector<16xf32>
      %swap3A_208 = arith.index_cast %scan3A_178 : i32 to index
      %swap3A_209 = arith.constant 48 : index
      %swap3A_210 = tpu.vector_load %arg7[%swap3A_208, %swap3A_209] {strides = array<i32>} : memref<128x128xf32, #tpu.memory_space<vmem>>, vector<1x16xf32>,
      %swap3A_211 = vector.shape_cast %swap3A_210 : vector<1x16xf32> to vector<16xf32>
      %swap3A_212 = vector.shape_cast %get3A_207 : vector<16xf32> to vector<1x16xf32>
      tpu.vector_store %arg7[%swap3A_208, %swap3A_209], %swap3A_212 {add = true, strides = array<i32>} : memref<128x128xf32, #tpu.memory_space<vmem>>, vector<1x16xf32>,
      %get3A_213 = arith.index_cast %scan3A_178 : i32 to index
      %get3A_214 = arith.constant 64 : index
      %get3A_215 = tpu.vector_load %arg10[%get3A_213, %get3A_214] {strides = array<i32>} : memref<128x128xf32, #tpu.memory_space<vmem>>, vector<1x16xf32>,
      %get3A_216 = vector.shape_cast %get3A_215 : vector<1x16xf32> to vector<16xf32>
      %swap3A_217 = arith.index_cast %scan3A_178 : i32 to index
      %swap3A_218 = arith.constant 64 : index
      %swap3A_219 = tpu.vector_load %arg7[%swap3A_217, %swap3A_218] {strides = array<i32>} : memref<128x128xf32, #tpu.memory_space<vmem>>, vector<1x16xf32>,
      %swap3A_220 = vector.shape_cast %swap3A_219 : vector<1x16xf32> to vector<16xf32>
      %swap3A_221 = vector.shape_cast %get3A_216 : vector<16xf32> to vector<1x16xf32>
      tpu.vector_store %arg7[%swap3A_217, %swap3A_218], %swap3A_221 {add = true, strides = array<i32>} : memref<128x128xf32, #tpu.memory_space<vmem>>, vector<1x16xf32>,
      %get3A_222 = arith.index_cast %scan3A_178 : i32 to index
      %get3A_223 = arith.constant 80 : index
      %get3A_224 = tpu.vector_load %arg10[%get3A_222, %get3A_223] {strides = array<i32>} : memref<128x128xf32, #tpu.memory_space<vmem>>, vector<1x16xf32>,
      %get3A_225 = vector.shape_cast %get3A_224 : vector<1x16xf32> to vector<16xf32>
      %swap3A_226 = arith.index_cast %scan3A_178 : i32 to index
      %swap3A_227 = arith.constant 80 : index
      %swap3A_228 = tpu.vector_load %arg7[%swap3A_226, %swap3A_227] {strides = array<i32>} : memref<128x128xf32, #tpu.memory_space<vmem>>, vector<1x16xf32>,
      %swap3A_229 = vector.shape_cast %swap3A_228 : vector<1x16xf32> to vector<16xf32>
      %swap3A_230 = vector.shape_cast %get3A_225 : vector<16xf32> to vector<1x16xf32>
      tpu.vector_store %arg7[%swap3A_226, %swap3A_227], %swap3A_230 {add = true, strides = array<i32>} : memref<128x128xf32, #tpu.memory_space<vmem>>, vector<1x16xf32>,
      %get3A_231 = arith.index_cast %scan3A_178 : i32 to index
      %get3A_232 = arith.constant 96 : index
      %get3A_233 = tpu.vector_load %arg10[%get3A_231, %get3A_232] {strides = array<i32>} : memref<128x128xf32, #tpu.memory_space<vmem>>, vector<1x16xf32>,
      %get3A_234 = vector.shape_cast %get3A_233 : vector<1x16xf32> to vector<16xf32>
      %swap3A_235 = arith.index_cast %scan3A_178 : i32 to index
      %swap3A_236 = arith.constant 96 : index
      %swap3A_237 = tpu.vector_load %arg7[%swap3A_235, %swap3A_236] {strides = array<i32>} : memref<128x128xf32, #tpu.memory_space<vmem>>, vector<1x16xf32>,
      %swap3A_238 = vector.shape_cast %swap3A_237 : vector<1x16xf32> to vector<16xf32>
      %swap3A_239 = vector.shape_cast %get3A_234 : vector<16xf32> to vector<1x16xf32>
      tpu.vector_store %arg7[%swap3A_235, %swap3A_236], %swap3A_239 {add = true, strides = array<i32>} : memref<128x128xf32, #tpu.memory_space<vmem>>, vector<1x16xf32>,
      %get3A_240 = arith.index_cast %scan3A_178 : i32 to index
      %get3A_241 = arith.constant 112 : index
      %get3A_242 = tpu.vector_load %arg10[%get3A_240, %get3A_241] {strides = array<i32>} : memref<128x128xf32, #tpu.memory_space<vmem>>, vector<1x16xf32>,
      %get3A_243 = vector.shape_cast %get3A_242 : vector<1x16xf32> to vector<16xf32>
      %swap3A_244 = arith.index_cast %scan3A_178 : i32 to index
      %swap3A_245 = arith.constant 112 : index
      %swap3A_246 = tpu.vector_load %arg7[%swap3A_244, %swap3A_245] {strides = array<i32>} : memref<128x128xf32, #tpu.memory_space<vmem>>, vector<1x16xf32>,
      %swap3A_247 = vector.shape_cast %swap3A_246 : vector<1x16xf32> to vector<16xf32>
      %swap3A_248 = vector.shape_cast %get3A_243 : vector<16xf32> to vector<1x16xf32>
      tpu.vector_store %arg7[%swap3A_244, %swap3A_245], %swap3A_248 {add = true, strides = array<i32>} : memref<128x128xf32, #tpu.memory_space<vmem>>, vector<1x16xf32>,
    }
    %scan3A_61 = arith.constant 128 : i32
    %add3A_62 = arith.constant 0 : i32
    %add3A_63 = arith.addi %select_n3A, %add3A_62 : i32
    %mul3A_64 = arith.constant 128 : i32
    %mul3A_65 = arith.muli %add3A_63, %mul3A_64 : i32
    %multiple_of3A_66 = tpu.assume_multiple %mul3A_65, 128 : i32
    %dma_start3A_67 = arith.constant 0 : i32
    %dma_start3A_68 = tpu.memref_slice %arg5[%multiple_of3A_66, %dma_start3A_67] : memref<100000x128xf32, #tpu.memory_space<hbm>> -> memref<128x128xf32, #tpu.memory_space<hbm>>
    %dma_start3A_69 = arith.constant 0 : i32
    %dma_start3A_70 = tpu.memref_slice %arg5[%multiple_of3A_66, %dma_start3A_69] : memref<100000x128xf32, #tpu.memory_space<hbm>> -> memref<128x128xf32, #tpu.memory_space<hbm>>
    tpu.enqueue_dma source(%arg7 : memref<128x128xf32, #tpu.memory_space<vmem>>) target(%dma_start3A_70 : memref<128x128xf32, #tpu.memory_space<hbm>>) target_semaphore(%arg16 : memref<!tpu.dma_semaphore, #tpu.memory_space<semaphore_mem>>)
    %add3A_71 = arith.constant 2 : i32
    %add3A_72 = arith.addi %select_n3A, %add3A_71 : i32
    %mul3A_73 = arith.constant 128 : i32
    %mul3A_74 = arith.muli %add3A_72, %mul3A_73 : i32
    %multiple_of3A_75 = tpu.assume_multiple %mul3A_74, 128 : i32
    %dma_start3A_76 = arith.constant 0 : i32
    %dma_start3A_77 = tpu.memref_slice %arg2[%multiple_of3A_75, %dma_start3A_76] : memref<100000x128xf32, #tpu.memory_space<hbm>> -> memref<128x128xf32, #tpu.memory_space<hbm>>
    %dma_start3A_78 = arith.constant 0 : i32
    %dma_start3A_79 = tpu.memref_slice %arg2[%multiple_of3A_75, %dma_start3A_78] : memref<100000x128xf32, #tpu.memory_space<hbm>> -> memref<128x128xf32, #tpu.memory_space<hbm>>
    tpu.enqueue_dma source(%dma_start3A_79 : memref<128x128xf32, #tpu.memory_space<hbm>>) target(%arg9 : memref<128x128xf32, #tpu.memory_space<vmem>>) target_semaphore(%arg15 : memref<!tpu.dma_semaphore, #tpu.memory_space<semaphore_mem>>)
    %dma_start3A_80 = arith.constant 256 : i32
    %dma_start3A_81 = tpu.memref_slice %arg6[%dma_start3A_80] : memref<3200xi32, #tpu.memory_space<vmem>> -> memref<128xi32, #tpu.memory_space<vmem>>
    %dma_start3A_82 = arith.constant 0 : i32
    %dma_start3A_83 = arith.constant 0 : i32
    %dma_start3A_84 = tpu.memref_slice %arg4[%dma_start3A_82, %dma_start3A_83] : memref<100000x128xf32, #tpu.memory_space<hbm>> -> memref<100000x128xf32, #tpu.memory_space<hbm>>
    tpu.enqueue_indirect_dma source(%dma_start3A_84 : memref<100000x128xf32, #tpu.memory_space<hbm>>) target(%arg12 : memref<128x128xf32, #tpu.memory_space<vmem>>) offsets(%dma_start3A_81 : memref<128xi32, #tpu.memory_space<vmem>>) semaphore(%arg15 : memref<!tpu.dma_semaphore, #tpu.memory_space<semaphore_mem>>)
    %scan3A_85 = arith.constant 0 : i32
    %scan3A_86 = arith.constant 0 : i32
    %scan3A_87 = arith.constant 7 : i32
    %scan3A_88 = arith.addi %scan3A_86, %scan3A_87 : i32
    %scan3A_89 = arith.constant 1 : i32
    scf.for %scan3A_178 = %scan3A_86 to %scan3A_88 step %scan3A_89  : i32 {
      %mul3A_179 = arith.constant 3 : i32
      %mul3A_180 = arith.muli %mul3A_179, %scan3A_178 : i32
      %add3A_181 = arith.constant 1 : i32
      %add3A_182 = arith.addi %mul3A_180, %add3A_181 : i32
      %dma_wait3A_183 = arith.constant 0 : i32
      %dma_wait3A_184 = arith.constant 0 : i32
      %dma_wait3A_185 = tpu.memref_slice %arg2[%dma_wait3A_183, %dma_wait3A_184] : memref<100000x128xf32, #tpu.memory_space<hbm>> -> memref<128x128xf32, #tpu.memory_space<hbm>>
      %dma_wait3A_186 = arith.constant 0 : i32
      %dma_wait3A_187 = arith.constant 0 : i32
      %dma_wait3A_188 = tpu.memref_slice %arg2[%dma_wait3A_186, %dma_wait3A_187] : memref<100000x128xf32, #tpu.memory_space<hbm>> -> memref<128x128xf32, #tpu.memory_space<hbm>>
      tpu.wait_dma2 semaphore(%arg14 : memref<!tpu.dma_semaphore, #tpu.memory_space<semaphore_mem>>) src(%dma_wait3A_188 : memref<128x128xf32, #tpu.memory_space<hbm>>) dst(%arg8 : memref<128x128xf32, #tpu.memory_space<vmem>>)
      %dma_wait3A_189 = arith.constant 0 : i32
      %dma_wait3A_190 = arith.constant 0 : i32
      %dma_wait3A_191 = tpu.memref_slice %arg2[%dma_wait3A_189, %dma_wait3A_190] : memref<100000x128xf32, #tpu.memory_space<hbm>> -> memref<128x128xf32, #tpu.memory_space<hbm>>
      %dma_wait3A_192 = arith.constant 0 : i32
      %dma_wait3A_193 = arith.constant 0 : i32
      %dma_wait3A_194 = tpu.memref_slice %arg2[%dma_wait3A_192, %dma_wait3A_193] : memref<100000x128xf32, #tpu.memory_space<hbm>> -> memref<128x128xf32, #tpu.memory_space<hbm>>
      tpu.wait_dma2 semaphore(%arg14 : memref<!tpu.dma_semaphore, #tpu.memory_space<semaphore_mem>>) src(%dma_wait3A_194 : memref<128x128xf32, #tpu.memory_space<hbm>>) dst(%arg11 : memref<128x128xf32, #tpu.memory_space<vmem>>)
      %scan3A_195 = arith.constant 0 : i32
      %scan3A_196 = arith.constant 0 : i32
      %scan3A_197 = arith.constant 128 : i32
      %scan3A_198 = arith.addi %scan3A_196, %scan3A_197 : i32
      %scan3A_199 = arith.constant 1 : i32
      scf.for %scan3A_331 = %scan3A_196 to %scan3A_198 step %scan3A_199  : i32 {
        %get3A = arith.index_cast %scan3A_331 : i32 to index
        %get3A_332 = arith.constant 0 : index
        %get3A_333 = tpu.vector_load %arg11[%get3A, %get3A_332] {strides = array<i32>} : memref<128x128xf32, #tpu.memory_space<vmem>>, vector<1x16xf32>,
        %get3A_334 = vector.shape_cast %get3A_333 : vector<1x16xf32> to vector<16xf32>
        %swap3A = arith.index_cast %scan3A_331 : i32 to index
        %swap3A_335 = arith.constant 0 : index
        %swap3A_336 = tpu.vector_load %arg8[%swap3A, %swap3A_335] {strides = array<i32>} : memref<128x128xf32, #tpu.memory_space<vmem>>, vector<1x16xf32>,
        %swap3A_337 = vector.shape_cast %swap3A_336 : vector<1x16xf32> to vector<16xf32>
        %swap3A_338 = vector.shape_cast %get3A_334 : vector<16xf32> to vector<1x16xf32>
        tpu.vector_store %arg8[%swap3A, %swap3A_335], %swap3A_338 {add = true, strides = array<i32>} : memref<128x128xf32, #tpu.memory_space<vmem>>, vector<1x16xf32>,
        %get3A_339 = arith.index_cast %scan3A_331 : i32 to index
        %get3A_340 = arith.constant 16 : index
        %get3A_341 = tpu.vector_load %arg11[%get3A_339, %get3A_340] {strides = array<i32>} : memref<128x128xf32, #tpu.memory_space<vmem>>, vector<1x16xf32>,
        %get3A_342 = vector.shape_cast %get3A_341 : vector<1x16xf32> to vector<16xf32>
        %swap3A_343 = arith.index_cast %scan3A_331 : i32 to index
        %swap3A_344 = arith.constant 16 : index
        %swap3A_345 = tpu.vector_load %arg8[%swap3A_343, %swap3A_344] {strides = array<i32>} : memref<128x128xf32, #tpu.memory_space<vmem>>, vector<1x16xf32>,
        %swap3A_346 = vector.shape_cast %swap3A_345 : vector<1x16xf32> to vector<16xf32>
        %swap3A_347 = vector.shape_cast %get3A_342 : vector<16xf32> to vector<1x16xf32>
        tpu.vector_store %arg8[%swap3A_343, %swap3A_344], %swap3A_347 {add = true, strides = array<i32>} : memref<128x128xf32, #tpu.memory_space<vmem>>, vector<1x16xf32>,
        %get3A_348 = arith.index_cast %scan3A_331 : i32 to index
        %get3A_349 = arith.constant 32 : index
        %get3A_350 = tpu.vector_load %arg11[%get3A_348, %get3A_349] {strides = array<i32>} : memref<128x128xf32, #tpu.memory_space<vmem>>, vector<1x16xf32>,
        %get3A_351 = vector.shape_cast %get3A_350 : vector<1x16xf32> to vector<16xf32>
        %swap3A_352 = arith.index_cast %scan3A_331 : i32 to index
        %swap3A_353 = arith.constant 32 : index
        %swap3A_354 = tpu.vector_load %arg8[%swap3A_352, %swap3A_353] {strides = array<i32>} : memref<128x128xf32, #tpu.memory_space<vmem>>, vector<1x16xf32>,
        %swap3A_355 = vector.shape_cast %swap3A_354 : vector<1x16xf32> to vector<16xf32>
        %swap3A_356 = vector.shape_cast %get3A_351 : vector<16xf32> to vector<1x16xf32>
        tpu.vector_store %arg8[%swap3A_352, %swap3A_353], %swap3A_356 {add = true, strides = array<i32>} : memref<128x128xf32, #tpu.memory_space<vmem>>, vector<1x16xf32>,
        %get3A_357 = arith.index_cast %scan3A_331 : i32 to index
        %get3A_358 = arith.constant 48 : index
        %get3A_359 = tpu.vector_load %arg11[%get3A_357, %get3A_358] {strides = array<i32>} : memref<128x128xf32, #tpu.memory_space<vmem>>, vector<1x16xf32>,
        %get3A_360 = vector.shape_cast %get3A_359 : vector<1x16xf32> to vector<16xf32>
        %swap3A_361 = arith.index_cast %scan3A_331 : i32 to index
        %swap3A_362 = arith.constant 48 : index
        %swap3A_363 = tpu.vector_load %arg8[%swap3A_361, %swap3A_362] {strides = array<i32>} : memref<128x128xf32, #tpu.memory_space<vmem>>, vector<1x16xf32>,
        %swap3A_364 = vector.shape_cast %swap3A_363 : vector<1x16xf32> to vector<16xf32>
        %swap3A_365 = vector.shape_cast %get3A_360 : vector<16xf32> to vector<1x16xf32>
        tpu.vector_store %arg8[%swap3A_361, %swap3A_362], %swap3A_365 {add = true, strides = array<i32>} : memref<128x128xf32, #tpu.memory_space<vmem>>, vector<1x16xf32>,
        %get3A_366 = arith.index_cast %scan3A_331 : i32 to index
        %get3A_367 = arith.constant 64 : index
        %get3A_368 = tpu.vector_load %arg11[%get3A_366, %get3A_367] {strides = array<i32>} : memref<128x128xf32, #tpu.memory_space<vmem>>, vector<1x16xf32>,
        %get3A_369 = vector.shape_cast %get3A_368 : vector<1x16xf32> to vector<16xf32>
        %swap3A_370 = arith.index_cast %scan3A_331 : i32 to index
        %swap3A_371 = arith.constant 64 : index
        %swap3A_372 = tpu.vector_load %arg8[%swap3A_370, %swap3A_371] {strides = array<i32>} : memref<128x128xf32, #tpu.memory_space<vmem>>, vector<1x16xf32>,
        %swap3A_373 = vector.shape_cast %swap3A_372 : vector<1x16xf32> to vector<16xf32>
        %swap3A_374 = vector.shape_cast %get3A_369 : vector<16xf32> to vector<1x16xf32>
        tpu.vector_store %arg8[%swap3A_370, %swap3A_371], %swap3A_374 {add = true, strides = array<i32>} : memref<128x128xf32, #tpu.memory_space<vmem>>, vector<1x16xf32>,
        %get3A_375 = arith.index_cast %scan3A_331 : i32 to index
        %get3A_376 = arith.constant 80 : index
        %get3A_377 = tpu.vector_load %arg11[%get3A_375, %get3A_376] {strides = array<i32>} : memref<128x128xf32, #tpu.memory_space<vmem>>, vector<1x16xf32>,
        %get3A_378 = vector.shape_cast %get3A_377 : vector<1x16xf32> to vector<16xf32>
        %swap3A_379 = arith.index_cast %scan3A_331 : i32 to index
        %swap3A_380 = arith.constant 80 : index
        %swap3A_381 = tpu.vector_load %arg8[%swap3A_379, %swap3A_380] {strides = array<i32>} : memref<128x128xf32, #tpu.memory_space<vmem>>, vector<1x16xf32>,
        %swap3A_382 = vector.shape_cast %swap3A_381 : vector<1x16xf32> to vector<16xf32>
        %swap3A_383 = vector.shape_cast %get3A_378 : vector<16xf32> to vector<1x16xf32>
        tpu.vector_store %arg8[%swap3A_379, %swap3A_380], %swap3A_383 {add = true, strides = array<i32>} : memref<128x128xf32, #tpu.memory_space<vmem>>, vector<1x16xf32>,
        %get3A_384 = arith.index_cast %scan3A_331 : i32 to index
        %get3A_385 = arith.constant 96 : index
        %get3A_386 = tpu.vector_load %arg11[%get3A_384, %get3A_385] {strides = array<i32>} : memref<128x128xf32, #tpu.memory_space<vmem>>, vector<1x16xf32>,
        %get3A_387 = vector.shape_cast %get3A_386 : vector<1x16xf32> to vector<16xf32>
        %swap3A_388 = arith.index_cast %scan3A_331 : i32 to index
        %swap3A_389 = arith.constant 96 : index
        %swap3A_390 = tpu.vector_load %arg8[%swap3A_388, %swap3A_389] {strides = array<i32>} : memref<128x128xf32, #tpu.memory_space<vmem>>, vector<1x16xf32>,
        %swap3A_391 = vector.shape_cast %swap3A_390 : vector<1x16xf32> to vector<16xf32>
        %swap3A_392 = vector.shape_cast %get3A_387 : vector<16xf32> to vector<1x16xf32>
        tpu.vector_store %arg8[%swap3A_388, %swap3A_389], %swap3A_392 {add = true, strides = array<i32>} : memref<128x128xf32, #tpu.memory_space<vmem>>, vector<1x16xf32>,
        %get3A_393 = arith.index_cast %scan3A_331 : i32 to index
        %get3A_394 = arith.constant 112 : index
        %get3A_395 = tpu.vector_load %arg11[%get3A_393, %get3A_394] {strides = array<i32>} : memref<128x128xf32, #tpu.memory_space<vmem>>, vector<1x16xf32>,
        %get3A_396 = vector.shape_cast %get3A_395 : vector<1x16xf32> to vector<16xf32>
        %swap3A_397 = arith.index_cast %scan3A_331 : i32 to index
        %swap3A_398 = arith.constant 112 : index
        %swap3A_399 = tpu.vector_load %arg8[%swap3A_397, %swap3A_398] {strides = array<i32>} : memref<128x128xf32, #tpu.memory_space<vmem>>, vector<1x16xf32>,
        %swap3A_400 = vector.shape_cast %swap3A_399 : vector<1x16xf32> to vector<16xf32>
        %swap3A_401 = vector.shape_cast %get3A_396 : vector<16xf32> to vector<1x16xf32>
        tpu.vector_store %arg8[%swap3A_397, %swap3A_398], %swap3A_401 {add = true, strides = array<i32>} : memref<128x128xf32, #tpu.memory_space<vmem>>, vector<1x16xf32>,
      }
      %scan3A_200 = arith.constant 128 : i32
      %add3A_201 = arith.addi %select_n3A, %add3A_182 : i32
      %mul3A_202 = arith.constant 128 : i32
      %mul3A_203 = arith.muli %add3A_201, %mul3A_202 : i32
      %multiple_of3A_204 = tpu.assume_multiple %mul3A_203, 128 : i32
      %dma_start3A_205 = arith.constant 0 : i32
      %dma_start3A_206 = tpu.memref_slice %arg5[%multiple_of3A_204, %dma_start3A_205] : memref<100000x128xf32, #tpu.memory_space<hbm>> -> memref<128x128xf32, #tpu.memory_space<hbm>>
      %dma_start3A_207 = arith.constant 0 : i32
      %dma_start3A_208 = tpu.memref_slice %arg5[%multiple_of3A_204, %dma_start3A_207] : memref<100000x128xf32, #tpu.memory_space<hbm>> -> memref<128x128xf32, #tpu.memory_space<hbm>>
      tpu.enqueue_dma source(%arg8 : memref<128x128xf32, #tpu.memory_space<vmem>>) target(%dma_start3A_208 : memref<128x128xf32, #tpu.memory_space<hbm>>) target_semaphore(%arg17 : memref<!tpu.dma_semaphore, #tpu.memory_space<semaphore_mem>>)
      %dma_wait3A_209 = arith.constant 0 : i32
      %dma_wait3A_210 = arith.constant 0 : i32
      %dma_wait3A_211 = tpu.memref_slice %arg2[%dma_wait3A_209, %dma_wait3A_210] : memref<100000x128xf32, #tpu.memory_space<hbm>> -> memref<128x128xf32, #tpu.memory_space<hbm>>
      %dma_wait3A_212 = arith.constant 0 : i32
      %dma_wait3A_213 = arith.constant 0 : i32
      %dma_wait3A_214 = tpu.memref_slice %arg2[%dma_wait3A_212, %dma_wait3A_213] : memref<100000x128xf32, #tpu.memory_space<hbm>> -> memref<128x128xf32, #tpu.memory_space<hbm>>
      tpu.wait_dma2 semaphore(%arg16 : memref<!tpu.dma_semaphore, #tpu.memory_space<semaphore_mem>>) src(%dma_wait3A_214 : memref<128x128xf32, #tpu.memory_space<hbm>>) dst(%arg7 : memref<128x128xf32, #tpu.memory_space<vmem>>)
      %add3A_215 = arith.constant 2 : i32
      %add3A_216 = arith.addi %add3A_182, %add3A_215 : i32
      %add3A_217 = arith.addi %select_n3A, %add3A_216 : i32
      %mul3A_218 = arith.constant 128 : i32
      %mul3A_219 = arith.muli %add3A_217, %mul3A_218 : i32
      %multiple_of3A_220 = tpu.assume_multiple %mul3A_219, 128 : i32
      %dma_start3A_221 = arith.constant 0 : i32
      %dma_start3A_222 = tpu.memref_slice %arg2[%multiple_of3A_220, %dma_start3A_221] : memref<100000x128xf32, #tpu.memory_space<hbm>> -> memref<128x128xf32, #tpu.memory_space<hbm>>
      %dma_start3A_223 = arith.constant 0 : i32
      %dma_start3A_224 = tpu.memref_slice %arg2[%multiple_of3A_220, %dma_start3A_223] : memref<100000x128xf32, #tpu.memory_space<hbm>> -> memref<128x128xf32, #tpu.memory_space<hbm>>
      tpu.enqueue_dma source(%dma_start3A_224 : memref<128x128xf32, #tpu.memory_space<hbm>>) target(%arg7 : memref<128x128xf32, #tpu.memory_space<vmem>>) target_semaphore(%arg13 : memref<!tpu.dma_semaphore, #tpu.memory_space<semaphore_mem>>)
      %mul3A_225 = arith.constant 128 : i32
      %mul3A_226 = arith.muli %add3A_216, %mul3A_225 : i32
      %dma_start3A_227 = tpu.memref_slice %arg6[%mul3A_226] : memref<3200xi32, #tpu.memory_space<vmem>> -> memref<128xi32, #tpu.memory_space<vmem>>
      %dma_start3A_228 = arith.constant 0 : i32
      %dma_start3A_229 = arith.constant 0 : i32
      %dma_start3A_230 = tpu.memref_slice %arg4[%dma_start3A_228, %dma_start3A_229] : memref<100000x128xf32, #tpu.memory_space<hbm>> -> memref<100000x128xf32, #tpu.memory_space<hbm>>
      tpu.enqueue_indirect_dma source(%dma_start3A_230 : memref<100000x128xf32, #tpu.memory_space<hbm>>) target(%arg10 : memref<128x128xf32, #tpu.memory_space<vmem>>) offsets(%dma_start3A_227 : memref<128xi32, #tpu.memory_space<vmem>>) semaphore(%arg13 : memref<!tpu.dma_semaphore, #tpu.memory_space<semaphore_mem>>)
      %add3A_231 = arith.constant 1 : i32
      %add3A_232 = arith.addi %add3A_182, %add3A_231 : i32
      %dma_wait3A_233 = arith.constant 0 : i32
      %dma_wait3A_234 = arith.constant 0 : i32
      %dma_wait3A_235 = tpu.memref_slice %arg2[%dma_wait3A_233, %dma_wait3A_234] : memref<100000x128xf32, #tpu.memory_space<hbm>> -> memref<128x128xf32, #tpu.memory_space<hbm>>
      %dma_wait3A_236 = arith.constant 0 : i32
      %dma_wait3A_237 = arith.constant 0 : i32
      %dma_wait3A_238 = tpu.memref_slice %arg2[%dma_wait3A_236, %dma_wait3A_237] : memref<100000x128xf32, #tpu.memory_space<hbm>> -> memref<128x128xf32, #tpu.memory_space<hbm>>
      tpu.wait_dma2 semaphore(%arg15 : memref<!tpu.dma_semaphore, #tpu.memory_space<semaphore_mem>>) src(%dma_wait3A_238 : memref<128x128xf32, #tpu.memory_space<hbm>>) dst(%arg9 : memref<128x128xf32, #tpu.memory_space<vmem>>)
      %dma_wait3A_239 = arith.constant 0 : i32
      %dma_wait3A_240 = arith.constant 0 : i32
      %dma_wait3A_241 = tpu.memref_slice %arg2[%dma_wait3A_239, %dma_wait3A_240] : memref<100000x128xf32, #tpu.memory_space<hbm>> -> memref<128x128xf32, #tpu.memory_space<hbm>>
      %dma_wait3A_242 = arith.constant 0 : i32
      %dma_wait3A_243 = arith.constant 0 : i32
      %dma_wait3A_244 = tpu.memref_slice %arg2[%dma_wait3A_242, %dma_wait3A_243] : memref<100000x128xf32, #tpu.memory_space<hbm>> -> memref<128x128xf32, #tpu.memory_space<hbm>>
      tpu.wait_dma2 semaphore(%arg15 : memref<!tpu.dma_semaphore, #tpu.memory_space<semaphore_mem>>) src(%dma_wait3A_244 : memref<128x128xf32, #tpu.memory_space<hbm>>) dst(%arg12 : memref<128x128xf32, #tpu.memory_space<vmem>>)
      %scan3A_245 = arith.constant 0 : i32
      %scan3A_246 = arith.constant 0 : i32
      %scan3A_247 = arith.constant 128 : i32
      %scan3A_248 = arith.addi %scan3A_246, %scan3A_247 : i32
      %scan3A_249 = arith.constant 1 : i32
      scf.for %scan3A_331 = %scan3A_246 to %scan3A_248 step %scan3A_249  : i32 {
        %get3A = arith.index_cast %scan3A_331 : i32 to index
        %get3A_332 = arith.constant 0 : index
        %get3A_333 = tpu.vector_load %arg12[%get3A, %get3A_332] {strides = array<i32>} : memref<128x128xf32, #tpu.memory_space<vmem>>, vector<1x16xf32>,
        %get3A_334 = vector.shape_cast %get3A_333 : vector<1x16xf32> to vector<16xf32>
        %swap3A = arith.index_cast %scan3A_331 : i32 to index
        %swap3A_335 = arith.constant 0 : index
        %swap3A_336 = tpu.vector_load %arg9[%swap3A, %swap3A_335] {strides = array<i32>} : memref<128x128xf32, #tpu.memory_space<vmem>>, vector<1x16xf32>,
        %swap3A_337 = vector.shape_cast %swap3A_336 : vector<1x16xf32> to vector<16xf32>
        %swap3A_338 = vector.shape_cast %get3A_334 : vector<16xf32> to vector<1x16xf32>
        tpu.vector_store %arg9[%swap3A, %swap3A_335], %swap3A_338 {add = true, strides = array<i32>} : memref<128x128xf32, #tpu.memory_space<vmem>>, vector<1x16xf32>,
        %get3A_339 = arith.index_cast %scan3A_331 : i32 to index
        %get3A_340 = arith.constant 16 : index
        %get3A_341 = tpu.vector_load %arg12[%get3A_339, %get3A_340] {strides = array<i32>} : memref<128x128xf32, #tpu.memory_space<vmem>>, vector<1x16xf32>,
        %get3A_342 = vector.shape_cast %get3A_341 : vector<1x16xf32> to vector<16xf32>
        %swap3A_343 = arith.index_cast %scan3A_331 : i32 to index
        %swap3A_344 = arith.constant 16 : index
        %swap3A_345 = tpu.vector_load %arg9[%swap3A_343, %swap3A_344] {strides = array<i32>} : memref<128x128xf32, #tpu.memory_space<vmem>>, vector<1x16xf32>,
        %swap3A_346 = vector.shape_cast %swap3A_345 : vector<1x16xf32> to vector<16xf32>
        %swap3A_347 = vector.shape_cast %get3A_342 : vector<16xf32> to vector<1x16xf32>
        tpu.vector_store %arg9[%swap3A_343, %swap3A_344], %swap3A_347 {add = true, strides = array<i32>} : memref<128x128xf32, #tpu.memory_space<vmem>>, vector<1x16xf32>,
        %get3A_348 = arith.index_cast %scan3A_331 : i32 to index
        %get3A_349 = arith.constant 32 : index
        %get3A_350 = tpu.vector_load %arg12[%get3A_348, %get3A_349] {strides = array<i32>} : memref<128x128xf32, #tpu.memory_space<vmem>>, vector<1x16xf32>,
        %get3A_351 = vector.shape_cast %get3A_350 : vector<1x16xf32> to vector<16xf32>
        %swap3A_352 = arith.index_cast %scan3A_331 : i32 to index
        %swap3A_353 = arith.constant 32 : index
        %swap3A_354 = tpu.vector_load %arg9[%swap3A_352, %swap3A_353] {strides = array<i32>} : memref<128x128xf32, #tpu.memory_space<vmem>>, vector<1x16xf32>,
        %swap3A_355 = vector.shape_cast %swap3A_354 : vector<1x16xf32> to vector<16xf32>
        %swap3A_356 = vector.shape_cast %get3A_351 : vector<16xf32> to vector<1x16xf32>
        tpu.vector_store %arg9[%swap3A_352, %swap3A_353], %swap3A_356 {add = true, strides = array<i32>} : memref<128x128xf32, #tpu.memory_space<vmem>>, vector<1x16xf32>,
        %get3A_357 = arith.index_cast %scan3A_331 : i32 to index
        %get3A_358 = arith.constant 48 : index
        %get3A_359 = tpu.vector_load %arg12[%get3A_357, %get3A_358] {strides = array<i32>} : memref<128x128xf32, #tpu.memory_space<vmem>>, vector<1x16xf32>,
        %get3A_360 = vector.shape_cast %get3A_359 : vector<1x16xf32> to vector<16xf32>
        %swap3A_361 = arith.index_cast %scan3A_331 : i32 to index
        %swap3A_362 = arith.constant 48 : index
        %swap3A_363 = tpu.vector_load %arg9[%swap3A_361, %swap3A_362] {strides = array<i32>} : memref<128x128xf32, #tpu.memory_space<vmem>>, vector<1x16xf32>,
        %swap3A_364 = vector.shape_cast %swap3A_363 : vector<1x16xf32> to vector<16xf32>
        %swap3A_365 = vector.shape_cast %get3A_360 : vector<16xf32> to vector<1x16xf32>
        tpu.vector_store %arg9[%swap3A_361, %swap3A_362], %swap3A_365 {add = true, strides = array<i32>} : memref<128x128xf32, #tpu.memory_space<vmem>>, vector<1x16xf32>,
        %get3A_366 = arith.index_cast %scan3A_331 : i32 to index
        %get3A_367 = arith.constant 64 : index
        %get3A_368 = tpu.vector_load %arg12[%get3A_366, %get3A_367] {strides = array<i32>} : memref<128x128xf32, #tpu.memory_space<vmem>>, vector<1x16xf32>,
        %get3A_369 = vector.shape_cast %get3A_368 : vector<1x16xf32> to vector<16xf32>
        %swap3A_370 = arith.index_cast %scan3A_331 : i32 to index
        %swap3A_371 = arith.constant 64 : index
        %swap3A_372 = tpu.vector_load %arg9[%swap3A_370, %swap3A_371] {strides = array<i32>} : memref<128x128xf32, #tpu.memory_space<vmem>>, vector<1x16xf32>,
        %swap3A_373 = vector.shape_cast %swap3A_372 : vector<1x16xf32> to vector<16xf32>
        %swap3A_374 = vector.shape_cast %get3A_369 : vector<16xf32> to vector<1x16xf32>
        tpu.vector_store %arg9[%swap3A_370, %swap3A_371], %swap3A_374 {add = true, strides = array<i32>} : memref<128x128xf32, #tpu.memory_space<vmem>>, vector<1x16xf32>,
        %get3A_375 = arith.index_cast %scan3A_331 : i32 to index
        %get3A_376 = arith.constant 80 : index
        %get3A_377 = tpu.vector_load %arg12[%get3A_375, %get3A_376] {strides = array<i32>} : memref<128x128xf32, #tpu.memory_space<vmem>>, vector<1x16xf32>,
        %get3A_378 = vector.shape_cast %get3A_377 : vector<1x16xf32> to vector<16xf32>
        %swap3A_379 = arith.index_cast %scan3A_331 : i32 to index
        %swap3A_380 = arith.constant 80 : index
        %swap3A_381 = tpu.vector_load %arg9[%swap3A_379, %swap3A_380] {strides = array<i32>} : memref<128x128xf32, #tpu.memory_space<vmem>>, vector<1x16xf32>,
        %swap3A_382 = vector.shape_cast %swap3A_381 : vector<1x16xf32> to vector<16xf32>
        %swap3A_383 = vector.shape_cast %get3A_378 : vector<16xf32> to vector<1x16xf32>
        tpu.vector_store %arg9[%swap3A_379, %swap3A_380], %swap3A_383 {add = true, strides = array<i32>} : memref<128x128xf32, #tpu.memory_space<vmem>>, vector<1x16xf32>,
        %get3A_384 = arith.index_cast %scan3A_331 : i32 to index
        %get3A_385 = arith.constant 96 : index
        %get3A_386 = tpu.vector_load %arg12[%get3A_384, %get3A_385] {strides = array<i32>} : memref<128x128xf32, #tpu.memory_space<vmem>>, vector<1x16xf32>,
        %get3A_387 = vector.shape_cast %get3A_386 : vector<1x16xf32> to vector<16xf32>
        %swap3A_388 = arith.index_cast %scan3A_331 : i32 to index
        %swap3A_389 = arith.constant 96 : index
        %swap3A_390 = tpu.vector_load %arg9[%swap3A_388, %swap3A_389] {strides = array<i32>} : memref<128x128xf32, #tpu.memory_space<vmem>>, vector<1x16xf32>,
        %swap3A_391 = vector.shape_cast %swap3A_390 : vector<1x16xf32> to vector<16xf32>
        %swap3A_392 = vector.shape_cast %get3A_387 : vector<16xf32> to vector<1x16xf32>
        tpu.vector_store %arg9[%swap3A_388, %swap3A_389], %swap3A_392 {add = true, strides = array<i32>} : memref<128x128xf32, #tpu.memory_space<vmem>>, vector<1x16xf32>,
        %get3A_393 = arith.index_cast %scan3A_331 : i32 to index
        %get3A_394 = arith.constant 112 : index
        %get3A_395 = tpu.vector_load %arg12[%get3A_393, %get3A_394] {strides = array<i32>} : memref<128x128xf32, #tpu.memory_space<vmem>>, vector<1x16xf32>,
        %get3A_396 = vector.shape_cast %get3A_395 : vector<1x16xf32> to vector<16xf32>
        %swap3A_397 = arith.index_cast %scan3A_331 : i32 to index
        %swap3A_398 = arith.constant 112 : index
        %swap3A_399 = tpu.vector_load %arg9[%swap3A_397, %swap3A_398] {strides = array<i32>} : memref<128x128xf32, #tpu.memory_space<vmem>>, vector<1x16xf32>,
        %swap3A_400 = vector.shape_cast %swap3A_399 : vector<1x16xf32> to vector<16xf32>
        %swap3A_401 = vector.shape_cast %get3A_396 : vector<16xf32> to vector<1x16xf32>
        tpu.vector_store %arg9[%swap3A_397, %swap3A_398], %swap3A_401 {add = true, strides = array<i32>} : memref<128x128xf32, #tpu.memory_space<vmem>>, vector<1x16xf32>,
      }
      %scan3A_250 = arith.constant 128 : i32
      %add3A_251 = arith.addi %select_n3A, %add3A_232 : i32
      %mul3A_252 = arith.constant 128 : i32
      %mul3A_253 = arith.muli %add3A_251, %mul3A_252 : i32
      %multiple_of3A_254 = tpu.assume_multiple %mul3A_253, 128 : i32
      %dma_start3A_255 = arith.constant 0 : i32
      %dma_start3A_256 = tpu.memref_slice %arg5[%multiple_of3A_254, %dma_start3A_255] : memref<100000x128xf32, #tpu.memory_space<hbm>> -> memref<128x128xf32, #tpu.memory_space<hbm>>
      %dma_start3A_257 = arith.constant 0 : i32
      %dma_start3A_258 = tpu.memref_slice %arg5[%multiple_of3A_254, %dma_start3A_257] : memref<100000x128xf32, #tpu.memory_space<hbm>> -> memref<128x128xf32, #tpu.memory_space<hbm>>
      tpu.enqueue_dma source(%arg9 : memref<128x128xf32, #tpu.memory_space<vmem>>) target(%dma_start3A_258 : memref<128x128xf32, #tpu.memory_space<hbm>>) target_semaphore(%arg18 : memref<!tpu.dma_semaphore, #tpu.memory_space<semaphore_mem>>)
      %dma_wait3A_259 = arith.constant 0 : i32
      %dma_wait3A_260 = arith.constant 0 : i32
      %dma_wait3A_261 = tpu.memref_slice %arg2[%dma_wait3A_259, %dma_wait3A_260] : memref<100000x128xf32, #tpu.memory_space<hbm>> -> memref<128x128xf32, #tpu.memory_space<hbm>>
      %dma_wait3A_262 = arith.constant 0 : i32
      %dma_wait3A_263 = arith.constant 0 : i32
      %dma_wait3A_264 = tpu.memref_slice %arg2[%dma_wait3A_262, %dma_wait3A_263] : memref<100000x128xf32, #tpu.memory_space<hbm>> -> memref<128x128xf32, #tpu.memory_space<hbm>>
      tpu.wait_dma2 semaphore(%arg17 : memref<!tpu.dma_semaphore, #tpu.memory_space<semaphore_mem>>) src(%dma_wait3A_264 : memref<128x128xf32, #tpu.memory_space<hbm>>) dst(%arg8 : memref<128x128xf32, #tpu.memory_space<vmem>>)
      %add3A_265 = arith.constant 2 : i32
      %add3A_266 = arith.addi %add3A_232, %add3A_265 : i32
      %add3A_267 = arith.addi %select_n3A, %add3A_266 : i32
      %mul3A_268 = arith.constant 128 : i32
      %mul3A_269 = arith.muli %add3A_267, %mul3A_268 : i32
      %multiple_of3A_270 = tpu.assume_multiple %mul3A_269, 128 : i32
      %dma_start3A_271 = arith.constant 0 : i32
      %dma_start3A_272 = tpu.memref_slice %arg2[%multiple_of3A_270, %dma_start3A_271] : memref<100000x128xf32, #tpu.memory_space<hbm>> -> memref<128x128xf32, #tpu.memory_space<hbm>>
      %dma_start3A_273 = arith.constant 0 : i32
      %dma_start3A_274 = tpu.memref_slice %arg2[%multiple_of3A_270, %dma_start3A_273] : memref<100000x128xf32, #tpu.memory_space<hbm>> -> memref<128x128xf32, #tpu.memory_space<hbm>>
      tpu.enqueue_dma source(%dma_start3A_274 : memref<128x128xf32, #tpu.memory_space<hbm>>) target(%arg8 : memref<128x128xf32, #tpu.memory_space<vmem>>) target_semaphore(%arg14 : memref<!tpu.dma_semaphore, #tpu.memory_space<semaphore_mem>>)
      %mul3A_275 = arith.constant 128 : i32
      %mul3A_276 = arith.muli %add3A_266, %mul3A_275 : i32
      %dma_start3A_277 = tpu.memref_slice %arg6[%mul3A_276] : memref<3200xi32, #tpu.memory_space<vmem>> -> memref<128xi32, #tpu.memory_space<vmem>>
      %dma_start3A_278 = arith.constant 0 : i32
      %dma_start3A_279 = arith.constant 0 : i32
      %dma_start3A_280 = tpu.memref_slice %arg4[%dma_start3A_278, %dma_start3A_279] : memref<100000x128xf32, #tpu.memory_space<hbm>> -> memref<100000x128xf32, #tpu.memory_space<hbm>>
      tpu.enqueue_indirect_dma source(%dma_start3A_280 : memref<100000x128xf32, #tpu.memory_space<hbm>>) target(%arg11 : memref<128x128xf32, #tpu.memory_space<vmem>>) offsets(%dma_start3A_277 : memref<128xi32, #tpu.memory_space<vmem>>) semaphore(%arg14 : memref<!tpu.dma_semaphore, #tpu.memory_space<semaphore_mem>>)
      %add3A_281 = arith.constant 2 : i32
      %add3A_282 = arith.addi %add3A_182, %add3A_281 : i32
      %dma_wait3A_283 = arith.constant 0 : i32
      %dma_wait3A_284 = arith.constant 0 : i32
      %dma_wait3A_285 = tpu.memref_slice %arg2[%dma_wait3A_283, %dma_wait3A_284] : memref<100000x128xf32, #tpu.memory_space<hbm>> -> memref<128x128xf32, #tpu.memory_space<hbm>>
      %dma_wait3A_286 = arith.constant 0 : i32
      %dma_wait3A_287 = arith.constant 0 : i32
      %dma_wait3A_288 = tpu.memref_slice %arg2[%dma_wait3A_286, %dma_wait3A_287] : memref<100000x128xf32, #tpu.memory_space<hbm>> -> memref<128x128xf32, #tpu.memory_space<hbm>>
      tpu.wait_dma2 semaphore(%arg13 : memref<!tpu.dma_semaphore, #tpu.memory_space<semaphore_mem>>) src(%dma_wait3A_288 : memref<128x128xf32, #tpu.memory_space<hbm>>) dst(%arg7 : memref<128x128xf32, #tpu.memory_space<vmem>>)
      %dma_wait3A_289 = arith.constant 0 : i32
      %dma_wait3A_290 = arith.constant 0 : i32
      %dma_wait3A_291 = tpu.memref_slice %arg2[%dma_wait3A_289, %dma_wait3A_290] : memref<100000x128xf32, #tpu.memory_space<hbm>> -> memref<128x128xf32, #tpu.memory_space<hbm>>
      %dma_wait3A_292 = arith.constant 0 : i32
      %dma_wait3A_293 = arith.constant 0 : i32
      %dma_wait3A_294 = tpu.memref_slice %arg2[%dma_wait3A_292, %dma_wait3A_293] : memref<100000x128xf32, #tpu.memory_space<hbm>> -> memref<128x128xf32, #tpu.memory_space<hbm>>
      tpu.wait_dma2 semaphore(%arg13 : memref<!tpu.dma_semaphore, #tpu.memory_space<semaphore_mem>>) src(%dma_wait3A_294 : memref<128x128xf32, #tpu.memory_space<hbm>>) dst(%arg10 : memref<128x128xf32, #tpu.memory_space<vmem>>)
      %scan3A_295 = arith.constant 0 : i32
      %scan3A_296 = arith.constant 0 : i32
      %scan3A_297 = arith.constant 128 : i32
      %scan3A_298 = arith.addi %scan3A_296, %scan3A_297 : i32
      %scan3A_299 = arith.constant 1 : i32
      scf.for %scan3A_331 = %scan3A_296 to %scan3A_298 step %scan3A_299  : i32 {
        %get3A = arith.index_cast %scan3A_331 : i32 to index
        %get3A_332 = arith.constant 0 : index
        %get3A_333 = tpu.vector_load %arg10[%get3A, %get3A_332] {strides = array<i32>} : memref<128x128xf32, #tpu.memory_space<vmem>>, vector<1x16xf32>,
        %get3A_334 = vector.shape_cast %get3A_333 : vector<1x16xf32> to vector<16xf32>
        %swap3A = arith.index_cast %scan3A_331 : i32 to index
        %swap3A_335 = arith.constant 0 : index
        %swap3A_336 = tpu.vector_load %arg7[%swap3A, %swap3A_335] {strides = array<i32>} : memref<128x128xf32, #tpu.memory_space<vmem>>, vector<1x16xf32>,
        %swap3A_337 = vector.shape_cast %swap3A_336 : vector<1x16xf32> to vector<16xf32>
        %swap3A_338 = vector.shape_cast %get3A_334 : vector<16xf32> to vector<1x16xf32>
        tpu.vector_store %arg7[%swap3A, %swap3A_335], %swap3A_338 {add = true, strides = array<i32>} : memref<128x128xf32, #tpu.memory_space<vmem>>, vector<1x16xf32>,
        %get3A_339 = arith.index_cast %scan3A_331 : i32 to index
        %get3A_340 = arith.constant 16 : index
        %get3A_341 = tpu.vector_load %arg10[%get3A_339, %get3A_340] {strides = array<i32>} : memref<128x128xf32, #tpu.memory_space<vmem>>, vector<1x16xf32>,
        %get3A_342 = vector.shape_cast %get3A_341 : vector<1x16xf32> to vector<16xf32>
        %swap3A_343 = arith.index_cast %scan3A_331 : i32 to index
        %swap3A_344 = arith.constant 16 : index
        %swap3A_345 = tpu.vector_load %arg7[%swap3A_343, %swap3A_344] {strides = array<i32>} : memref<128x128xf32, #tpu.memory_space<vmem>>, vector<1x16xf32>,
        %swap3A_346 = vector.shape_cast %swap3A_345 : vector<1x16xf32> to vector<16xf32>
        %swap3A_347 = vector.shape_cast %get3A_342 : vector<16xf32> to vector<1x16xf32>
        tpu.vector_store %arg7[%swap3A_343, %swap3A_344], %swap3A_347 {add = true, strides = array<i32>} : memref<128x128xf32, #tpu.memory_space<vmem>>, vector<1x16xf32>,
        %get3A_348 = arith.index_cast %scan3A_331 : i32 to index
        %get3A_349 = arith.constant 32 : index
        %get3A_350 = tpu.vector_load %arg10[%get3A_348, %get3A_349] {strides = array<i32>} : memref<128x128xf32, #tpu.memory_space<vmem>>, vector<1x16xf32>,
        %get3A_351 = vector.shape_cast %get3A_350 : vector<1x16xf32> to vector<16xf32>
        %swap3A_352 = arith.index_cast %scan3A_331 : i32 to index
        %swap3A_353 = arith.constant 32 : index
        %swap3A_354 = tpu.vector_load %arg7[%swap3A_352, %swap3A_353] {strides = array<i32>} : memref<128x128xf32, #tpu.memory_space<vmem>>, vector<1x16xf32>,
        %swap3A_355 = vector.shape_cast %swap3A_354 : vector<1x16xf32> to vector<16xf32>
        %swap3A_356 = vector.shape_cast %get3A_351 : vector<16xf32> to vector<1x16xf32>
        tpu.vector_store %arg7[%swap3A_352, %swap3A_353], %swap3A_356 {add = true, strides = array<i32>} : memref<128x128xf32, #tpu.memory_space<vmem>>, vector<1x16xf32>,
        %get3A_357 = arith.index_cast %scan3A_331 : i32 to index
        %get3A_358 = arith.constant 48 : index
        %get3A_359 = tpu.vector_load %arg10[%get3A_357, %get3A_358] {strides = array<i32>} : memref<128x128xf32, #tpu.memory_space<vmem>>, vector<1x16xf32>,
        %get3A_360 = vector.shape_cast %get3A_359 : vector<1x16xf32> to vector<16xf32>
        %swap3A_361 = arith.index_cast %scan3A_331 : i32 to index
        %swap3A_362 = arith.constant 48 : index
        %swap3A_363 = tpu.vector_load %arg7[%swap3A_361, %swap3A_362] {strides = array<i32>} : memref<128x128xf32, #tpu.memory_space<vmem>>, vector<1x16xf32>,
        %swap3A_364 = vector.shape_cast %swap3A_363 : vector<1x16xf32> to vector<16xf32>
        %swap3A_365 = vector.shape_cast %get3A_360 : vector<16xf32> to vector<1x16xf32>
        tpu.vector_store %arg7[%swap3A_361, %swap3A_362], %swap3A_365 {add = true, strides = array<i32>} : memref<128x128xf32, #tpu.memory_space<vmem>>, vector<1x16xf32>,
        %get3A_366 = arith.index_cast %scan3A_331 : i32 to index
        %get3A_367 = arith.constant 64 : index
        %get3A_368 = tpu.vector_load %arg10[%get3A_366, %get3A_367] {strides = array<i32>} : memref<128x128xf32, #tpu.memory_space<vmem>>, vector<1x16xf32>,
        %get3A_369 = vector.shape_cast %get3A_368 : vector<1x16xf32> to vector<16xf32>
        %swap3A_370 = arith.index_cast %scan3A_331 : i32 to index
        %swap3A_371 = arith.constant 64 : index
        %swap3A_372 = tpu.vector_load %arg7[%swap3A_370, %swap3A_371] {strides = array<i32>} : memref<128x128xf32, #tpu.memory_space<vmem>>, vector<1x16xf32>,
        %swap3A_373 = vector.shape_cast %swap3A_372 : vector<1x16xf32> to vector<16xf32>
        %swap3A_374 = vector.shape_cast %get3A_369 : vector<16xf32> to vector<1x16xf32>
        tpu.vector_store %arg7[%swap3A_370, %swap3A_371], %swap3A_374 {add = true, strides = array<i32>} : memref<128x128xf32, #tpu.memory_space<vmem>>, vector<1x16xf32>,
        %get3A_375 = arith.index_cast %scan3A_331 : i32 to index
        %get3A_376 = arith.constant 80 : index
        %get3A_377 = tpu.vector_load %arg10[%get3A_375, %get3A_376] {strides = array<i32>} : memref<128x128xf32, #tpu.memory_space<vmem>>, vector<1x16xf32>,
        %get3A_378 = vector.shape_cast %get3A_377 : vector<1x16xf32> to vector<16xf32>
        %swap3A_379 = arith.index_cast %scan3A_331 : i32 to index
        %swap3A_380 = arith.constant 80 : index
        %swap3A_381 = tpu.vector_load %arg7[%swap3A_379, %swap3A_380] {strides = array<i32>} : memref<128x128xf32, #tpu.memory_space<vmem>>, vector<1x16xf32>,
        %swap3A_382 = vector.shape_cast %swap3A_381 : vector<1x16xf32> to vector<16xf32>
        %swap3A_383 = vector.shape_cast %get3A_378 : vector<16xf32> to vector<1x16xf32>
        tpu.vector_store %arg7[%swap3A_379, %swap3A_380], %swap3A_383 {add = true, strides = array<i32>} : memref<128x128xf32, #tpu.memory_space<vmem>>, vector<1x16xf32>,
        %get3A_384 = arith.index_cast %scan3A_331 : i32 to index
        %get3A_385 = arith.constant 96 : index
        %get3A_386 = tpu.vector_load %arg10[%get3A_384, %get3A_385] {strides = array<i32>} : memref<128x128xf32, #tpu.memory_space<vmem>>, vector<1x16xf32>,
        %get3A_387 = vector.shape_cast %get3A_386 : vector<1x16xf32> to vector<16xf32>
        %swap3A_388 = arith.index_cast %scan3A_331 : i32 to index
        %swap3A_389 = arith.constant 96 : index
        %swap3A_390 = tpu.vector_load %arg7[%swap3A_388, %swap3A_389] {strides = array<i32>} : memref<128x128xf32, #tpu.memory_space<vmem>>, vector<1x16xf32>,
        %swap3A_391 = vector.shape_cast %swap3A_390 : vector<1x16xf32> to vector<16xf32>
        %swap3A_392 = vector.shape_cast %get3A_387 : vector<16xf32> to vector<1x16xf32>
        tpu.vector_store %arg7[%swap3A_388, %swap3A_389], %swap3A_392 {add = true, strides = array<i32>} : memref<128x128xf32, #tpu.memory_space<vmem>>, vector<1x16xf32>,
        %get3A_393 = arith.index_cast %scan3A_331 : i32 to index
        %get3A_394 = arith.constant 112 : index
        %get3A_395 = tpu.vector_load %arg10[%get3A_393, %get3A_394] {strides = array<i32>} : memref<128x128xf32, #tpu.memory_space<vmem>>, vector<1x16xf32>,
        %get3A_396 = vector.shape_cast %get3A_395 : vector<1x16xf32> to vector<16xf32>
        %swap3A_397 = arith.index_cast %scan3A_331 : i32 to index
        %swap3A_398 = arith.constant 112 : index
        %swap3A_399 = tpu.vector_load %arg7[%swap3A_397, %swap3A_398] {strides = array<i32>} : memref<128x128xf32, #tpu.memory_space<vmem>>, vector<1x16xf32>,
        %swap3A_400 = vector.shape_cast %swap3A_399 : vector<1x16xf32> to vector<16xf32>
        %swap3A_401 = vector.shape_cast %get3A_396 : vector<16xf32> to vector<1x16xf32>
        tpu.vector_store %arg7[%swap3A_397, %swap3A_398], %swap3A_401 {add = true, strides = array<i32>} : memref<128x128xf32, #tpu.memory_space<vmem>>, vector<1x16xf32>,
      }
      %scan3A_300 = arith.constant 128 : i32
      %add3A_301 = arith.addi %select_n3A, %add3A_282 : i32
      %mul3A_302 = arith.constant 128 : i32
      %mul3A_303 = arith.muli %add3A_301, %mul3A_302 : i32
      %multiple_of3A_304 = tpu.assume_multiple %mul3A_303, 128 : i32
      %dma_start3A_305 = arith.constant 0 : i32
      %dma_start3A_306 = tpu.memref_slice %arg5[%multiple_of3A_304, %dma_start3A_305] : memref<100000x128xf32, #tpu.memory_space<hbm>> -> memref<128x128xf32, #tpu.memory_space<hbm>>
      %dma_start3A_307 = arith.constant 0 : i32
      %dma_start3A_308 = tpu.memref_slice %arg5[%multiple_of3A_304, %dma_start3A_307] : memref<100000x128xf32, #tpu.memory_space<hbm>> -> memref<128x128xf32, #tpu.memory_space<hbm>>
      tpu.enqueue_dma source(%arg7 : memref<128x128xf32, #tpu.memory_space<vmem>>) target(%dma_start3A_308 : memref<128x128xf32, #tpu.memory_space<hbm>>) target_semaphore(%arg16 : memref<!tpu.dma_semaphore, #tpu.memory_space<semaphore_mem>>)
      %dma_wait3A_309 = arith.constant 0 : i32
      %dma_wait3A_310 = arith.constant 0 : i32
      %dma_wait3A_311 = tpu.memref_slice %arg2[%dma_wait3A_309, %dma_wait3A_310] : memref<100000x128xf32, #tpu.memory_space<hbm>> -> memref<128x128xf32, #tpu.memory_space<hbm>>
      %dma_wait3A_312 = arith.constant 0 : i32
      %dma_wait3A_313 = arith.constant 0 : i32
      %dma_wait3A_314 = tpu.memref_slice %arg2[%dma_wait3A_312, %dma_wait3A_313] : memref<100000x128xf32, #tpu.memory_space<hbm>> -> memref<128x128xf32, #tpu.memory_space<hbm>>
      tpu.wait_dma2 semaphore(%arg18 : memref<!tpu.dma_semaphore, #tpu.memory_space<semaphore_mem>>) src(%dma_wait3A_314 : memref<128x128xf32, #tpu.memory_space<hbm>>) dst(%arg9 : memref<128x128xf32, #tpu.memory_space<vmem>>)
      %add3A_315 = arith.constant 2 : i32
      %add3A_316 = arith.addi %add3A_282, %add3A_315 : i32
      %add3A_317 = arith.addi %select_n3A, %add3A_316 : i32
      %mul3A_318 = arith.constant 128 : i32
      %mul3A_319 = arith.muli %add3A_317, %mul3A_318 : i32
      %multiple_of3A_320 = tpu.assume_multiple %mul3A_319, 128 : i32
      %dma_start3A_321 = arith.constant 0 : i32
      %dma_start3A_322 = tpu.memref_slice %arg2[%multiple_of3A_320, %dma_start3A_321] : memref<100000x128xf32, #tpu.memory_space<hbm>> -> memref<128x128xf32, #tpu.memory_space<hbm>>
      %dma_start3A_323 = arith.constant 0 : i32
      %dma_start3A_324 = tpu.memref_slice %arg2[%multiple_of3A_320, %dma_start3A_323] : memref<100000x128xf32, #tpu.memory_space<hbm>> -> memref<128x128xf32, #tpu.memory_space<hbm>>
      tpu.enqueue_dma source(%dma_start3A_324 : memref<128x128xf32, #tpu.memory_space<hbm>>) target(%arg9 : memref<128x128xf32, #tpu.memory_space<vmem>>) target_semaphore(%arg15 : memref<!tpu.dma_semaphore, #tpu.memory_space<semaphore_mem>>)
      %mul3A_325 = arith.constant 128 : i32
      %mul3A_326 = arith.muli %add3A_316, %mul3A_325 : i32
      %dma_start3A_327 = tpu.memref_slice %arg6[%mul3A_326] : memref<3200xi32, #tpu.memory_space<vmem>> -> memref<128xi32, #tpu.memory_space<vmem>>
      %dma_start3A_328 = arith.constant 0 : i32
      %dma_start3A_329 = arith.constant 0 : i32
      %dma_start3A_330 = tpu.memref_slice %arg4[%dma_start3A_328, %dma_start3A_329] : memref<100000x128xf32, #tpu.memory_space<hbm>> -> memref<100000x128xf32, #tpu.memory_space<hbm>>
      tpu.enqueue_indirect_dma source(%dma_start3A_330 : memref<100000x128xf32, #tpu.memory_space<hbm>>) target(%arg12 : memref<128x128xf32, #tpu.memory_space<vmem>>) offsets(%dma_start3A_327 : memref<128xi32, #tpu.memory_space<vmem>>) semaphore(%arg15 : memref<!tpu.dma_semaphore, #tpu.memory_space<semaphore_mem>>)
    }
    %scan3A_90 = arith.constant 7 : i32
    %dma_wait3A_91 = arith.constant 0 : i32
    %dma_wait3A_92 = arith.constant 0 : i32
    %dma_wait3A_93 = tpu.memref_slice %arg2[%dma_wait3A_91, %dma_wait3A_92] : memref<100000x128xf32, #tpu.memory_space<hbm>> -> memref<128x128xf32, #tpu.memory_space<hbm>>
    %dma_wait3A_94 = arith.constant 0 : i32
    %dma_wait3A_95 = arith.constant 0 : i32
    %dma_wait3A_96 = tpu.memref_slice %arg2[%dma_wait3A_94, %dma_wait3A_95] : memref<100000x128xf32, #tpu.memory_space<hbm>> -> memref<128x128xf32, #tpu.memory_space<hbm>>
    tpu.wait_dma2 semaphore(%arg14 : memref<!tpu.dma_semaphore, #tpu.memory_space<semaphore_mem>>) src(%dma_wait3A_96 : memref<128x128xf32, #tpu.memory_space<hbm>>) dst(%arg8 : memref<128x128xf32, #tpu.memory_space<vmem>>)
    %dma_wait3A_97 = arith.constant 0 : i32
    %dma_wait3A_98 = arith.constant 0 : i32
    %dma_wait3A_99 = tpu.memref_slice %arg2[%dma_wait3A_97, %dma_wait3A_98] : memref<100000x128xf32, #tpu.memory_space<hbm>> -> memref<128x128xf32, #tpu.memory_space<hbm>>
    %dma_wait3A_100 = arith.constant 0 : i32
    %dma_wait3A_101 = arith.constant 0 : i32
    %dma_wait3A_102 = tpu.memref_slice %arg2[%dma_wait3A_100, %dma_wait3A_101] : memref<100000x128xf32, #tpu.memory_space<hbm>> -> memref<128x128xf32, #tpu.memory_space<hbm>>
    tpu.wait_dma2 semaphore(%arg14 : memref<!tpu.dma_semaphore, #tpu.memory_space<semaphore_mem>>) src(%dma_wait3A_102 : memref<128x128xf32, #tpu.memory_space<hbm>>) dst(%arg11 : memref<128x128xf32, #tpu.memory_space<vmem>>)
    %scan3A_103 = arith.constant 0 : i32
    %scan3A_104 = arith.constant 0 : i32
    %scan3A_105 = arith.constant 128 : i32
    %scan3A_106 = arith.addi %scan3A_104, %scan3A_105 : i32
    %scan3A_107 = arith.constant 1 : i32
    scf.for %scan3A_178 = %scan3A_104 to %scan3A_106 step %scan3A_107  : i32 {
      %get3A = arith.index_cast %scan3A_178 : i32 to index
      %get3A_179 = arith.constant 0 : index
      %get3A_180 = tpu.vector_load %arg11[%get3A, %get3A_179] {strides = array<i32>} : memref<128x128xf32, #tpu.memory_space<vmem>>, vector<1x16xf32>,
      %get3A_181 = vector.shape_cast %get3A_180 : vector<1x16xf32> to vector<16xf32>
      %swap3A = arith.index_cast %scan3A_178 : i32 to index
      %swap3A_182 = arith.constant 0 : index
      %swap3A_183 = tpu.vector_load %arg8[%swap3A, %swap3A_182] {strides = array<i32>} : memref<128x128xf32, #tpu.memory_space<vmem>>, vector<1x16xf32>,
      %swap3A_184 = vector.shape_cast %swap3A_183 : vector<1x16xf32> to vector<16xf32>
      %swap3A_185 = vector.shape_cast %get3A_181 : vector<16xf32> to vector<1x16xf32>
      tpu.vector_store %arg8[%swap3A, %swap3A_182], %swap3A_185 {add = true, strides = array<i32>} : memref<128x128xf32, #tpu.memory_space<vmem>>, vector<1x16xf32>,
      %get3A_186 = arith.index_cast %scan3A_178 : i32 to index
      %get3A_187 = arith.constant 16 : index
      %get3A_188 = tpu.vector_load %arg11[%get3A_186, %get3A_187] {strides = array<i32>} : memref<128x128xf32, #tpu.memory_space<vmem>>, vector<1x16xf32>,
      %get3A_189 = vector.shape_cast %get3A_188 : vector<1x16xf32> to vector<16xf32>
      %swap3A_190 = arith.index_cast %scan3A_178 : i32 to index
      %swap3A_191 = arith.constant 16 : index
      %swap3A_192 = tpu.vector_load %arg8[%swap3A_190, %swap3A_191] {strides = array<i32>} : memref<128x128xf32, #tpu.memory_space<vmem>>, vector<1x16xf32>,
      %swap3A_193 = vector.shape_cast %swap3A_192 : vector<1x16xf32> to vector<16xf32>
      %swap3A_194 = vector.shape_cast %get3A_189 : vector<16xf32> to vector<1x16xf32>
      tpu.vector_store %arg8[%swap3A_190, %swap3A_191], %swap3A_194 {add = true, strides = array<i32>} : memref<128x128xf32, #tpu.memory_space<vmem>>, vector<1x16xf32>,
      %get3A_195 = arith.index_cast %scan3A_178 : i32 to index
      %get3A_196 = arith.constant 32 : index
      %get3A_197 = tpu.vector_load %arg11[%get3A_195, %get3A_196] {strides = array<i32>} : memref<128x128xf32, #tpu.memory_space<vmem>>, vector<1x16xf32>,
      %get3A_198 = vector.shape_cast %get3A_197 : vector<1x16xf32> to vector<16xf32>
      %swap3A_199 = arith.index_cast %scan3A_178 : i32 to index
      %swap3A_200 = arith.constant 32 : index
      %swap3A_201 = tpu.vector_load %arg8[%swap3A_199, %swap3A_200] {strides = array<i32>} : memref<128x128xf32, #tpu.memory_space<vmem>>, vector<1x16xf32>,
      %swap3A_202 = vector.shape_cast %swap3A_201 : vector<1x16xf32> to vector<16xf32>
      %swap3A_203 = vector.shape_cast %get3A_198 : vector<16xf32> to vector<1x16xf32>
      tpu.vector_store %arg8[%swap3A_199, %swap3A_200], %swap3A_203 {add = true, strides = array<i32>} : memref<128x128xf32, #tpu.memory_space<vmem>>, vector<1x16xf32>,
      %get3A_204 = arith.index_cast %scan3A_178 : i32 to index
      %get3A_205 = arith.constant 48 : index
      %get3A_206 = tpu.vector_load %arg11[%get3A_204, %get3A_205] {strides = array<i32>} : memref<128x128xf32, #tpu.memory_space<vmem>>, vector<1x16xf32>,
      %get3A_207 = vector.shape_cast %get3A_206 : vector<1x16xf32> to vector<16xf32>
      %swap3A_208 = arith.index_cast %scan3A_178 : i32 to index
      %swap3A_209 = arith.constant 48 : index
      %swap3A_210 = tpu.vector_load %arg8[%swap3A_208, %swap3A_209] {strides = array<i32>} : memref<128x128xf32, #tpu.memory_space<vmem>>, vector<1x16xf32>,
      %swap3A_211 = vector.shape_cast %swap3A_210 : vector<1x16xf32> to vector<16xf32>
      %swap3A_212 = vector.shape_cast %get3A_207 : vector<16xf32> to vector<1x16xf32>
      tpu.vector_store %arg8[%swap3A_208, %swap3A_209], %swap3A_212 {add = true, strides = array<i32>} : memref<128x128xf32, #tpu.memory_space<vmem>>, vector<1x16xf32>,
      %get3A_213 = arith.index_cast %scan3A_178 : i32 to index
      %get3A_214 = arith.constant 64 : index
      %get3A_215 = tpu.vector_load %arg11[%get3A_213, %get3A_214] {strides = array<i32>} : memref<128x128xf32, #tpu.memory_space<vmem>>, vector<1x16xf32>,
      %get3A_216 = vector.shape_cast %get3A_215 : vector<1x16xf32> to vector<16xf32>
      %swap3A_217 = arith.index_cast %scan3A_178 : i32 to index
      %swap3A_218 = arith.constant 64 : index
      %swap3A_219 = tpu.vector_load %arg8[%swap3A_217, %swap3A_218] {strides = array<i32>} : memref<128x128xf32, #tpu.memory_space<vmem>>, vector<1x16xf32>,
      %swap3A_220 = vector.shape_cast %swap3A_219 : vector<1x16xf32> to vector<16xf32>
      %swap3A_221 = vector.shape_cast %get3A_216 : vector<16xf32> to vector<1x16xf32>
      tpu.vector_store %arg8[%swap3A_217, %swap3A_218], %swap3A_221 {add = true, strides = array<i32>} : memref<128x128xf32, #tpu.memory_space<vmem>>, vector<1x16xf32>,
      %get3A_222 = arith.index_cast %scan3A_178 : i32 to index
      %get3A_223 = arith.constant 80 : index
      %get3A_224 = tpu.vector_load %arg11[%get3A_222, %get3A_223] {strides = array<i32>} : memref<128x128xf32, #tpu.memory_space<vmem>>, vector<1x16xf32>,
      %get3A_225 = vector.shape_cast %get3A_224 : vector<1x16xf32> to vector<16xf32>
      %swap3A_226 = arith.index_cast %scan3A_178 : i32 to index
      %swap3A_227 = arith.constant 80 : index
      %swap3A_228 = tpu.vector_load %arg8[%swap3A_226, %swap3A_227] {strides = array<i32>} : memref<128x128xf32, #tpu.memory_space<vmem>>, vector<1x16xf32>,
      %swap3A_229 = vector.shape_cast %swap3A_228 : vector<1x16xf32> to vector<16xf32>
      %swap3A_230 = vector.shape_cast %get3A_225 : vector<16xf32> to vector<1x16xf32>
      tpu.vector_store %arg8[%swap3A_226, %swap3A_227], %swap3A_230 {add = true, strides = array<i32>} : memref<128x128xf32, #tpu.memory_space<vmem>>, vector<1x16xf32>,
      %get3A_231 = arith.index_cast %scan3A_178 : i32 to index
      %get3A_232 = arith.constant 96 : index
      %get3A_233 = tpu.vector_load %arg11[%get3A_231, %get3A_232] {strides = array<i32>} : memref<128x128xf32, #tpu.memory_space<vmem>>, vector<1x16xf32>,
      %get3A_234 = vector.shape_cast %get3A_233 : vector<1x16xf32> to vector<16xf32>
      %swap3A_235 = arith.index_cast %scan3A_178 : i32 to index
      %swap3A_236 = arith.constant 96 : index
      %swap3A_237 = tpu.vector_load %arg8[%swap3A_235, %swap3A_236] {strides = array<i32>} : memref<128x128xf32, #tpu.memory_space<vmem>>, vector<1x16xf32>,
      %swap3A_238 = vector.shape_cast %swap3A_237 : vector<1x16xf32> to vector<16xf32>
      %swap3A_239 = vector.shape_cast %get3A_234 : vector<16xf32> to vector<1x16xf32>
      tpu.vector_store %arg8[%swap3A_235, %swap3A_236], %swap3A_239 {add = true, strides = array<i32>} : memref<128x128xf32, #tpu.memory_space<vmem>>, vector<1x16xf32>,
      %get3A_240 = arith.index_cast %scan3A_178 : i32 to index
      %get3A_241 = arith.constant 112 : index
      %get3A_242 = tpu.vector_load %arg11[%get3A_240, %get3A_241] {strides = array<i32>} : memref<128x128xf32, #tpu.memory_space<vmem>>, vector<1x16xf32>,
      %get3A_243 = vector.shape_cast %get3A_242 : vector<1x16xf32> to vector<16xf32>
      %swap3A_244 = arith.index_cast %scan3A_178 : i32 to index
      %swap3A_245 = arith.constant 112 : index
      %swap3A_246 = tpu.vector_load %arg8[%swap3A_244, %swap3A_245] {strides = array<i32>} : memref<128x128xf32, #tpu.memory_space<vmem>>, vector<1x16xf32>,
      %swap3A_247 = vector.shape_cast %swap3A_246 : vector<1x16xf32> to vector<16xf32>
      %swap3A_248 = vector.shape_cast %get3A_243 : vector<16xf32> to vector<1x16xf32>
      tpu.vector_store %arg8[%swap3A_244, %swap3A_245], %swap3A_248 {add = true, strides = array<i32>} : memref<128x128xf32, #tpu.memory_space<vmem>>, vector<1x16xf32>,
    }
    %scan3A_108 = arith.constant 128 : i32
    %add3A_109 = arith.constant 22 : i32
    %add3A_110 = arith.addi %select_n3A, %add3A_109 : i32
    %mul3A_111 = arith.constant 128 : i32
    %mul3A_112 = arith.muli %add3A_110, %mul3A_111 : i32
    %multiple_of3A_113 = tpu.assume_multiple %mul3A_112, 128 : i32
    %dma_start3A_114 = arith.constant 0 : i32
    %dma_start3A_115 = tpu.memref_slice %arg5[%multiple_of3A_113, %dma_start3A_114] : memref<100000x128xf32, #tpu.memory_space<hbm>> -> memref<128x128xf32, #tpu.memory_space<hbm>>
    %dma_start3A_116 = arith.constant 0 : i32
    %dma_start3A_117 = tpu.memref_slice %arg5[%multiple_of3A_113, %dma_start3A_116] : memref<100000x128xf32, #tpu.memory_space<hbm>> -> memref<128x128xf32, #tpu.memory_space<hbm>>
    tpu.enqueue_dma source(%arg8 : memref<128x128xf32, #tpu.memory_space<vmem>>) target(%dma_start3A_117 : memref<128x128xf32, #tpu.memory_space<hbm>>) target_semaphore(%arg17 : memref<!tpu.dma_semaphore, #tpu.memory_space<semaphore_mem>>)
    %dma_wait3A_118 = arith.constant 0 : i32
    %dma_wait3A_119 = arith.constant 0 : i32
    %dma_wait3A_120 = tpu.memref_slice %arg2[%dma_wait3A_118, %dma_wait3A_119] : memref<100000x128xf32, #tpu.memory_space<hbm>> -> memref<128x128xf32, #tpu.memory_space<hbm>>
    %dma_wait3A_121 = arith.constant 0 : i32
    %dma_wait3A_122 = arith.constant 0 : i32
    %dma_wait3A_123 = tpu.memref_slice %arg2[%dma_wait3A_121, %dma_wait3A_122] : memref<100000x128xf32, #tpu.memory_space<hbm>> -> memref<128x128xf32, #tpu.memory_space<hbm>>
    tpu.wait_dma2 semaphore(%arg16 : memref<!tpu.dma_semaphore, #tpu.memory_space<semaphore_mem>>) src(%dma_wait3A_123 : memref<128x128xf32, #tpu.memory_space<hbm>>) dst(%arg7 : memref<128x128xf32, #tpu.memory_space<vmem>>)
    %lt3A_124 = arith.constant 13 : i32
    %lt3A_125 = arith.cmpi slt, %add3A, %lt3A_124 : i32
    %convert_element_type3A_126 = arith.extui %lt3A_125 : i1 to i32
    %cond3A_127 = arith.constant 0 : i32
    %cond3A_128 = arith.cmpi ne, %convert_element_type3A_126, %cond3A_127 : i32
    scf.if %cond3A_128 {
      %add3A_178 = arith.constant 24 : i32
      %add3A_179 = arith.addi %select_n3A, %add3A_178 : i32
      %mul3A_180 = arith.constant 128 : i32
      %mul3A_181 = arith.muli %add3A_179, %mul3A_180 : i32
      %multiple_of3A_182 = tpu.assume_multiple %mul3A_181, 128 : i32
      %dma_start3A_183 = arith.constant 0 : i32
      %dma_start3A_184 = tpu.memref_slice %arg2[%multiple_of3A_182, %dma_start3A_183] : memref<100000x128xf32, #tpu.memory_space<hbm>> -> memref<128x128xf32, #tpu.memory_space<hbm>>
      %dma_start3A_185 = arith.constant 0 : i32
      %dma_start3A_186 = tpu.memref_slice %arg2[%multiple_of3A_182, %dma_start3A_185] : memref<100000x128xf32, #tpu.memory_space<hbm>> -> memref<128x128xf32, #tpu.memory_space<hbm>>
      tpu.enqueue_dma source(%dma_start3A_186 : memref<128x128xf32, #tpu.memory_space<hbm>>) target(%arg7 : memref<128x128xf32, #tpu.memory_space<vmem>>) target_semaphore(%arg13 : memref<!tpu.dma_semaphore, #tpu.memory_space<semaphore_mem>>)
      %dma_start3A_187 = arith.constant 3072 : i32
      %dma_start3A_188 = tpu.memref_slice %arg6[%dma_start3A_187] : memref<3200xi32, #tpu.memory_space<vmem>> -> memref<128xi32, #tpu.memory_space<vmem>>
      %dma_start3A_189 = arith.constant 0 : i32
      %dma_start3A_190 = arith.constant 0 : i32
      %dma_start3A_191 = tpu.memref_slice %arg4[%dma_start3A_189, %dma_start3A_190] : memref<100000x128xf32, #tpu.memory_space<hbm>> -> memref<100000x128xf32, #tpu.memory_space<hbm>>
      tpu.enqueue_indirect_dma source(%dma_start3A_191 : memref<100000x128xf32, #tpu.memory_space<hbm>>) target(%arg10 : memref<128x128xf32, #tpu.memory_space<vmem>>) offsets(%dma_start3A_188 : memref<128xi32, #tpu.memory_space<vmem>>) semaphore(%arg13 : memref<!tpu.dma_semaphore, #tpu.memory_space<semaphore_mem>>)
    } else {
    }
    %dma_wait3A_129 = arith.constant 0 : i32
    %dma_wait3A_130 = arith.constant 0 : i32
    %dma_wait3A_131 = tpu.memref_slice %arg2[%dma_wait3A_129, %dma_wait3A_130] : memref<100000x128xf32, #tpu.memory_space<hbm>> -> memref<128x128xf32, #tpu.memory_space<hbm>>
    %dma_wait3A_132 = arith.constant 0 : i32
    %dma_wait3A_133 = arith.constant 0 : i32
    %dma_wait3A_134 = tpu.memref_slice %arg2[%dma_wait3A_132, %dma_wait3A_133] : memref<100000x128xf32, #tpu.memory_space<hbm>> -> memref<128x128xf32, #tpu.memory_space<hbm>>
    tpu.wait_dma2 semaphore(%arg15 : memref<!tpu.dma_semaphore, #tpu.memory_space<semaphore_mem>>) src(%dma_wait3A_134 : memref<128x128xf32, #tpu.memory_space<hbm>>) dst(%arg9 : memref<128x128xf32, #tpu.memory_space<vmem>>)
    %dma_wait3A_135 = arith.constant 0 : i32
    %dma_wait3A_136 = arith.constant 0 : i32
    %dma_wait3A_137 = tpu.memref_slice %arg2[%dma_wait3A_135, %dma_wait3A_136] : memref<100000x128xf32, #tpu.memory_space<hbm>> -> memref<128x128xf32, #tpu.memory_space<hbm>>
    %dma_wait3A_138 = arith.constant 0 : i32
    %dma_wait3A_139 = arith.constant 0 : i32
    %dma_wait3A_140 = tpu.memref_slice %arg2[%dma_wait3A_138, %dma_wait3A_139] : memref<100000x128xf32, #tpu.memory_space<hbm>> -> memref<128x128xf32, #tpu.memory_space<hbm>>
    tpu.wait_dma2 semaphore(%arg15 : memref<!tpu.dma_semaphore, #tpu.memory_space<semaphore_mem>>) src(%dma_wait3A_140 : memref<128x128xf32, #tpu.memory_space<hbm>>) dst(%arg12 : memref<128x128xf32, #tpu.memory_space<vmem>>)
    %scan3A_141 = arith.constant 0 : i32
    %scan3A_142 = arith.constant 0 : i32
    %scan3A_143 = arith.constant 128 : i32
    %scan3A_144 = arith.addi %scan3A_142, %scan3A_143 : i32
    %scan3A_145 = arith.constant 1 : i32
    scf.for %scan3A_178 = %scan3A_142 to %scan3A_144 step %scan3A_145  : i32 {
      %get3A = arith.index_cast %scan3A_178 : i32 to index
      %get3A_179 = arith.constant 0 : index
      %get3A_180 = tpu.vector_load %arg12[%get3A, %get3A_179] {strides = array<i32>} : memref<128x128xf32, #tpu.memory_space<vmem>>, vector<1x16xf32>,
      %get3A_181 = vector.shape_cast %get3A_180 : vector<1x16xf32> to vector<16xf32>
      %swap3A = arith.index_cast %scan3A_178 : i32 to index
      %swap3A_182 = arith.constant 0 : index
      %swap3A_183 = tpu.vector_load %arg9[%swap3A, %swap3A_182] {strides = array<i32>} : memref<128x128xf32, #tpu.memory_space<vmem>>, vector<1x16xf32>,
      %swap3A_184 = vector.shape_cast %swap3A_183 : vector<1x16xf32> to vector<16xf32>
      %swap3A_185 = vector.shape_cast %get3A_181 : vector<16xf32> to vector<1x16xf32>
      tpu.vector_store %arg9[%swap3A, %swap3A_182], %swap3A_185 {add = true, strides = array<i32>} : memref<128x128xf32, #tpu.memory_space<vmem>>, vector<1x16xf32>,
      %get3A_186 = arith.index_cast %scan3A_178 : i32 to index
      %get3A_187 = arith.constant 16 : index
      %get3A_188 = tpu.vector_load %arg12[%get3A_186, %get3A_187] {strides = array<i32>} : memref<128x128xf32, #tpu.memory_space<vmem>>, vector<1x16xf32>,
      %get3A_189 = vector.shape_cast %get3A_188 : vector<1x16xf32> to vector<16xf32>
      %swap3A_190 = arith.index_cast %scan3A_178 : i32 to index
      %swap3A_191 = arith.constant 16 : index
      %swap3A_192 = tpu.vector_load %arg9[%swap3A_190, %swap3A_191] {strides = array<i32>} : memref<128x128xf32, #tpu.memory_space<vmem>>, vector<1x16xf32>,
      %swap3A_193 = vector.shape_cast %swap3A_192 : vector<1x16xf32> to vector<16xf32>
      %swap3A_194 = vector.shape_cast %get3A_189 : vector<16xf32> to vector<1x16xf32>
      tpu.vector_store %arg9[%swap3A_190, %swap3A_191], %swap3A_194 {add = true, strides = array<i32>} : memref<128x128xf32, #tpu.memory_space<vmem>>, vector<1x16xf32>,
      %get3A_195 = arith.index_cast %scan3A_178 : i32 to index
      %get3A_196 = arith.constant 32 : index
      %get3A_197 = tpu.vector_load %arg12[%get3A_195, %get3A_196] {strides = array<i32>} : memref<128x128xf32, #tpu.memory_space<vmem>>, vector<1x16xf32>,
      %get3A_198 = vector.shape_cast %get3A_197 : vector<1x16xf32> to vector<16xf32>
      %swap3A_199 = arith.index_cast %scan3A_178 : i32 to index
      %swap3A_200 = arith.constant 32 : index
      %swap3A_201 = tpu.vector_load %arg9[%swap3A_199, %swap3A_200] {strides = array<i32>} : memref<128x128xf32, #tpu.memory_space<vmem>>, vector<1x16xf32>,
      %swap3A_202 = vector.shape_cast %swap3A_201 : vector<1x16xf32> to vector<16xf32>
      %swap3A_203 = vector.shape_cast %get3A_198 : vector<16xf32> to vector<1x16xf32>
      tpu.vector_store %arg9[%swap3A_199, %swap3A_200], %swap3A_203 {add = true, strides = array<i32>} : memref<128x128xf32, #tpu.memory_space<vmem>>, vector<1x16xf32>,
      %get3A_204 = arith.index_cast %scan3A_178 : i32 to index
      %get3A_205 = arith.constant 48 : index
      %get3A_206 = tpu.vector_load %arg12[%get3A_204, %get3A_205] {strides = array<i32>} : memref<128x128xf32, #tpu.memory_space<vmem>>, vector<1x16xf32>,
      %get3A_207 = vector.shape_cast %get3A_206 : vector<1x16xf32> to vector<16xf32>
      %swap3A_208 = arith.index_cast %scan3A_178 : i32 to index
      %swap3A_209 = arith.constant 48 : index
      %swap3A_210 = tpu.vector_load %arg9[%swap3A_208, %swap3A_209] {strides = array<i32>} : memref<128x128xf32, #tpu.memory_space<vmem>>, vector<1x16xf32>,
      %swap3A_211 = vector.shape_cast %swap3A_210 : vector<1x16xf32> to vector<16xf32>
      %swap3A_212 = vector.shape_cast %get3A_207 : vector<16xf32> to vector<1x16xf32>
      tpu.vector_store %arg9[%swap3A_208, %swap3A_209], %swap3A_212 {add = true, strides = array<i32>} : memref<128x128xf32, #tpu.memory_space<vmem>>, vector<1x16xf32>,
      %get3A_213 = arith.index_cast %scan3A_178 : i32 to index
      %get3A_214 = arith.constant 64 : index
      %get3A_215 = tpu.vector_load %arg12[%get3A_213, %get3A_214] {strides = array<i32>} : memref<128x128xf32, #tpu.memory_space<vmem>>, vector<1x16xf32>,
      %get3A_216 = vector.shape_cast %get3A_215 : vector<1x16xf32> to vector<16xf32>
      %swap3A_217 = arith.index_cast %scan3A_178 : i32 to index
      %swap3A_218 = arith.constant 64 : index
      %swap3A_219 = tpu.vector_load %arg9[%swap3A_217, %swap3A_218] {strides = array<i32>} : memref<128x128xf32, #tpu.memory_space<vmem>>, vector<1x16xf32>,
      %swap3A_220 = vector.shape_cast %swap3A_219 : vector<1x16xf32> to vector<16xf32>
      %swap3A_221 = vector.shape_cast %get3A_216 : vector<16xf32> to vector<1x16xf32>
      tpu.vector_store %arg9[%swap3A_217, %swap3A_218], %swap3A_221 {add = true, strides = array<i32>} : memref<128x128xf32, #tpu.memory_space<vmem>>, vector<1x16xf32>,
      %get3A_222 = arith.index_cast %scan3A_178 : i32 to index
      %get3A_223 = arith.constant 80 : index
      %get3A_224 = tpu.vector_load %arg12[%get3A_222, %get3A_223] {strides = array<i32>} : memref<128x128xf32, #tpu.memory_space<vmem>>, vector<1x16xf32>,
      %get3A_225 = vector.shape_cast %get3A_224 : vector<1x16xf32> to vector<16xf32>
      %swap3A_226 = arith.index_cast %scan3A_178 : i32 to index
      %swap3A_227 = arith.constant 80 : index
      %swap3A_228 = tpu.vector_load %arg9[%swap3A_226, %swap3A_227] {strides = array<i32>} : memref<128x128xf32, #tpu.memory_space<vmem>>, vector<1x16xf32>,
      %swap3A_229 = vector.shape_cast %swap3A_228 : vector<1x16xf32> to vector<16xf32>
      %swap3A_230 = vector.shape_cast %get3A_225 : vector<16xf32> to vector<1x16xf32>
      tpu.vector_store %arg9[%swap3A_226, %swap3A_227], %swap3A_230 {add = true, strides = array<i32>} : memref<128x128xf32, #tpu.memory_space<vmem>>, vector<1x16xf32>,
      %get3A_231 = arith.index_cast %scan3A_178 : i32 to index
      %get3A_232 = arith.constant 96 : index
      %get3A_233 = tpu.vector_load %arg12[%get3A_231, %get3A_232] {strides = array<i32>} : memref<128x128xf32, #tpu.memory_space<vmem>>, vector<1x16xf32>,
      %get3A_234 = vector.shape_cast %get3A_233 : vector<1x16xf32> to vector<16xf32>
      %swap3A_235 = arith.index_cast %scan3A_178 : i32 to index
      %swap3A_236 = arith.constant 96 : index
      %swap3A_237 = tpu.vector_load %arg9[%swap3A_235, %swap3A_236] {strides = array<i32>} : memref<128x128xf32, #tpu.memory_space<vmem>>, vector<1x16xf32>,
      %swap3A_238 = vector.shape_cast %swap3A_237 : vector<1x16xf32> to vector<16xf32>
      %swap3A_239 = vector.shape_cast %get3A_234 : vector<16xf32> to vector<1x16xf32>
      tpu.vector_store %arg9[%swap3A_235, %swap3A_236], %swap3A_239 {add = true, strides = array<i32>} : memref<128x128xf32, #tpu.memory_space<vmem>>, vector<1x16xf32>,
      %get3A_240 = arith.index_cast %scan3A_178 : i32 to index
      %get3A_241 = arith.constant 112 : index
      %get3A_242 = tpu.vector_load %arg12[%get3A_240, %get3A_241] {strides = array<i32>} : memref<128x128xf32, #tpu.memory_space<vmem>>, vector<1x16xf32>,
      %get3A_243 = vector.shape_cast %get3A_242 : vector<1x16xf32> to vector<16xf32>
      %swap3A_244 = arith.index_cast %scan3A_178 : i32 to index
      %swap3A_245 = arith.constant 112 : index
      %swap3A_246 = tpu.vector_load %arg9[%swap3A_244, %swap3A_245] {strides = array<i32>} : memref<128x128xf32, #tpu.memory_space<vmem>>, vector<1x16xf32>,
      %swap3A_247 = vector.shape_cast %swap3A_246 : vector<1x16xf32> to vector<16xf32>
      %swap3A_248 = vector.shape_cast %get3A_243 : vector<16xf32> to vector<1x16xf32>
      tpu.vector_store %arg9[%swap3A_244, %swap3A_245], %swap3A_248 {add = true, strides = array<i32>} : memref<128x128xf32, #tpu.memory_space<vmem>>, vector<1x16xf32>,
    }
    %scan3A_146 = arith.constant 128 : i32
    %add3A_147 = arith.constant 23 : i32
    %add3A_148 = arith.addi %select_n3A, %add3A_147 : i32
    %mul3A_149 = arith.constant 128 : i32
    %mul3A_150 = arith.muli %add3A_148, %mul3A_149 : i32
    %multiple_of3A_151 = tpu.assume_multiple %mul3A_150, 128 : i32
    %dma_start3A_152 = arith.constant 0 : i32
    %dma_start3A_153 = tpu.memref_slice %arg5[%multiple_of3A_151, %dma_start3A_152] : memref<100000x128xf32, #tpu.memory_space<hbm>> -> memref<128x128xf32, #tpu.memory_space<hbm>>
    %dma_start3A_154 = arith.constant 0 : i32
    %dma_start3A_155 = tpu.memref_slice %arg5[%multiple_of3A_151, %dma_start3A_154] : memref<100000x128xf32, #tpu.memory_space<hbm>> -> memref<128x128xf32, #tpu.memory_space<hbm>>
    tpu.enqueue_dma source(%arg9 : memref<128x128xf32, #tpu.memory_space<vmem>>) target(%dma_start3A_155 : memref<128x128xf32, #tpu.memory_space<hbm>>) target_semaphore(%arg18 : memref<!tpu.dma_semaphore, #tpu.memory_space<semaphore_mem>>)
    %lt3A_156 = arith.constant 13 : i32
    %lt3A_157 = arith.cmpi slt, %add3A, %lt3A_156 : i32
    %convert_element_type3A_158 = arith.extui %lt3A_157 : i1 to i32
    %cond3A_159 = arith.constant 0 : i32
    %cond3A_160 = arith.cmpi ne, %convert_element_type3A_158, %cond3A_159 : i32
    scf.if %cond3A_160 {
      %dma_wait3A_178 = arith.constant 0 : i32
      %dma_wait3A_179 = arith.constant 0 : i32
      %dma_wait3A_180 = tpu.memref_slice %arg2[%dma_wait3A_178, %dma_wait3A_179] : memref<100000x128xf32, #tpu.memory_space<hbm>> -> memref<128x128xf32, #tpu.memory_space<hbm>>
      %dma_wait3A_181 = arith.constant 0 : i32
      %dma_wait3A_182 = arith.constant 0 : i32
      %dma_wait3A_183 = tpu.memref_slice %arg2[%dma_wait3A_181, %dma_wait3A_182] : memref<100000x128xf32, #tpu.memory_space<hbm>> -> memref<128x128xf32, #tpu.memory_space<hbm>>
      tpu.wait_dma2 semaphore(%arg13 : memref<!tpu.dma_semaphore, #tpu.memory_space<semaphore_mem>>) src(%dma_wait3A_183 : memref<128x128xf32, #tpu.memory_space<hbm>>) dst(%arg7 : memref<128x128xf32, #tpu.memory_space<vmem>>)
      %dma_wait3A_184 = arith.constant 0 : i32
      %dma_wait3A_185 = arith.constant 0 : i32
      %dma_wait3A_186 = tpu.memref_slice %arg2[%dma_wait3A_184, %dma_wait3A_185] : memref<100000x128xf32, #tpu.memory_space<hbm>> -> memref<128x128xf32, #tpu.memory_space<hbm>>
      %dma_wait3A_187 = arith.constant 0 : i32
      %dma_wait3A_188 = arith.constant 0 : i32
      %dma_wait3A_189 = tpu.memref_slice %arg2[%dma_wait3A_187, %dma_wait3A_188] : memref<100000x128xf32, #tpu.memory_space<hbm>> -> memref<128x128xf32, #tpu.memory_space<hbm>>
      tpu.wait_dma2 semaphore(%arg13 : memref<!tpu.dma_semaphore, #tpu.memory_space<semaphore_mem>>) src(%dma_wait3A_189 : memref<128x128xf32, #tpu.memory_space<hbm>>) dst(%arg10 : memref<128x128xf32, #tpu.memory_space<vmem>>)
      %scan3A_190 = arith.constant 0 : i32
      %scan3A_191 = arith.constant 0 : i32
      %scan3A_192 = arith.constant 128 : i32
      %scan3A_193 = arith.addi %scan3A_191, %scan3A_192 : i32
      %scan3A_194 = arith.constant 1 : i32
      scf.for %scan3A_211 = %scan3A_191 to %scan3A_193 step %scan3A_194  : i32 {
        %get3A = arith.index_cast %scan3A_211 : i32 to index
        %get3A_212 = arith.constant 0 : index
        %get3A_213 = tpu.vector_load %arg10[%get3A, %get3A_212] {strides = array<i32>} : memref<128x128xf32, #tpu.memory_space<vmem>>, vector<1x16xf32>,
        %get3A_214 = vector.shape_cast %get3A_213 : vector<1x16xf32> to vector<16xf32>
        %swap3A = arith.index_cast %scan3A_211 : i32 to index
        %swap3A_215 = arith.constant 0 : index
        %swap3A_216 = tpu.vector_load %arg7[%swap3A, %swap3A_215] {strides = array<i32>} : memref<128x128xf32, #tpu.memory_space<vmem>>, vector<1x16xf32>,
        %swap3A_217 = vector.shape_cast %swap3A_216 : vector<1x16xf32> to vector<16xf32>
        %swap3A_218 = vector.shape_cast %get3A_214 : vector<16xf32> to vector<1x16xf32>
        tpu.vector_store %arg7[%swap3A, %swap3A_215], %swap3A_218 {add = true, strides = array<i32>} : memref<128x128xf32, #tpu.memory_space<vmem>>, vector<1x16xf32>,
        %get3A_219 = arith.index_cast %scan3A_211 : i32 to index
        %get3A_220 = arith.constant 16 : index
        %get3A_221 = tpu.vector_load %arg10[%get3A_219, %get3A_220] {strides = array<i32>} : memref<128x128xf32, #tpu.memory_space<vmem>>, vector<1x16xf32>,
        %get3A_222 = vector.shape_cast %get3A_221 : vector<1x16xf32> to vector<16xf32>
        %swap3A_223 = arith.index_cast %scan3A_211 : i32 to index
        %swap3A_224 = arith.constant 16 : index
        %swap3A_225 = tpu.vector_load %arg7[%swap3A_223, %swap3A_224] {strides = array<i32>} : memref<128x128xf32, #tpu.memory_space<vmem>>, vector<1x16xf32>,
        %swap3A_226 = vector.shape_cast %swap3A_225 : vector<1x16xf32> to vector<16xf32>
        %swap3A_227 = vector.shape_cast %get3A_222 : vector<16xf32> to vector<1x16xf32>
        tpu.vector_store %arg7[%swap3A_223, %swap3A_224], %swap3A_227 {add = true, strides = array<i32>} : memref<128x128xf32, #tpu.memory_space<vmem>>, vector<1x16xf32>,
        %get3A_228 = arith.index_cast %scan3A_211 : i32 to index
        %get3A_229 = arith.constant 32 : index
        %get3A_230 = tpu.vector_load %arg10[%get3A_228, %get3A_229] {strides = array<i32>} : memref<128x128xf32, #tpu.memory_space<vmem>>, vector<1x16xf32>,
        %get3A_231 = vector.shape_cast %get3A_230 : vector<1x16xf32> to vector<16xf32>
        %swap3A_232 = arith.index_cast %scan3A_211 : i32 to index
        %swap3A_233 = arith.constant 32 : index
        %swap3A_234 = tpu.vector_load %arg7[%swap3A_232, %swap3A_233] {strides = array<i32>} : memref<128x128xf32, #tpu.memory_space<vmem>>, vector<1x16xf32>,
        %swap3A_235 = vector.shape_cast %swap3A_234 : vector<1x16xf32> to vector<16xf32>
        %swap3A_236 = vector.shape_cast %get3A_231 : vector<16xf32> to vector<1x16xf32>
        tpu.vector_store %arg7[%swap3A_232, %swap3A_233], %swap3A_236 {add = true, strides = array<i32>} : memref<128x128xf32, #tpu.memory_space<vmem>>, vector<1x16xf32>,
        %get3A_237 = arith.index_cast %scan3A_211 : i32 to index
        %get3A_238 = arith.constant 48 : index
        %get3A_239 = tpu.vector_load %arg10[%get3A_237, %get3A_238] {strides = array<i32>} : memref<128x128xf32, #tpu.memory_space<vmem>>, vector<1x16xf32>,
        %get3A_240 = vector.shape_cast %get3A_239 : vector<1x16xf32> to vector<16xf32>
        %swap3A_241 = arith.index_cast %scan3A_211 : i32 to index
        %swap3A_242 = arith.constant 48 : index
        %swap3A_243 = tpu.vector_load %arg7[%swap3A_241, %swap3A_242] {strides = array<i32>} : memref<128x128xf32, #tpu.memory_space<vmem>>, vector<1x16xf32>,
        %swap3A_244 = vector.shape_cast %swap3A_243 : vector<1x16xf32> to vector<16xf32>
        %swap3A_245 = vector.shape_cast %get3A_240 : vector<16xf32> to vector<1x16xf32>
        tpu.vector_store %arg7[%swap3A_241, %swap3A_242], %swap3A_245 {add = true, strides = array<i32>} : memref<128x128xf32, #tpu.memory_space<vmem>>, vector<1x16xf32>,
        %get3A_246 = arith.index_cast %scan3A_211 : i32 to index
        %get3A_247 = arith.constant 64 : index
        %get3A_248 = tpu.vector_load %arg10[%get3A_246, %get3A_247] {strides = array<i32>} : memref<128x128xf32, #tpu.memory_space<vmem>>, vector<1x16xf32>,
        %get3A_249 = vector.shape_cast %get3A_248 : vector<1x16xf32> to vector<16xf32>
        %swap3A_250 = arith.index_cast %scan3A_211 : i32 to index
        %swap3A_251 = arith.constant 64 : index
        %swap3A_252 = tpu.vector_load %arg7[%swap3A_250, %swap3A_251] {strides = array<i32>} : memref<128x128xf32, #tpu.memory_space<vmem>>, vector<1x16xf32>,
        %swap3A_253 = vector.shape_cast %swap3A_252 : vector<1x16xf32> to vector<16xf32>
        %swap3A_254 = vector.shape_cast %get3A_249 : vector<16xf32> to vector<1x16xf32>
        tpu.vector_store %arg7[%swap3A_250, %swap3A_251], %swap3A_254 {add = true, strides = array<i32>} : memref<128x128xf32, #tpu.memory_space<vmem>>, vector<1x16xf32>,
        %get3A_255 = arith.index_cast %scan3A_211 : i32 to index
        %get3A_256 = arith.constant 80 : index
        %get3A_257 = tpu.vector_load %arg10[%get3A_255, %get3A_256] {strides = array<i32>} : memref<128x128xf32, #tpu.memory_space<vmem>>, vector<1x16xf32>,
        %get3A_258 = vector.shape_cast %get3A_257 : vector<1x16xf32> to vector<16xf32>
        %swap3A_259 = arith.index_cast %scan3A_211 : i32 to index
        %swap3A_260 = arith.constant 80 : index
        %swap3A_261 = tpu.vector_load %arg7[%swap3A_259, %swap3A_260] {strides = array<i32>} : memref<128x128xf32, #tpu.memory_space<vmem>>, vector<1x16xf32>,
        %swap3A_262 = vector.shape_cast %swap3A_261 : vector<1x16xf32> to vector<16xf32>
        %swap3A_263 = vector.shape_cast %get3A_258 : vector<16xf32> to vector<1x16xf32>
        tpu.vector_store %arg7[%swap3A_259, %swap3A_260], %swap3A_263 {add = true, strides = array<i32>} : memref<128x128xf32, #tpu.memory_space<vmem>>, vector<1x16xf32>,
        %get3A_264 = arith.index_cast %scan3A_211 : i32 to index
        %get3A_265 = arith.constant 96 : index
        %get3A_266 = tpu.vector_load %arg10[%get3A_264, %get3A_265] {strides = array<i32>} : memref<128x128xf32, #tpu.memory_space<vmem>>, vector<1x16xf32>,
        %get3A_267 = vector.shape_cast %get3A_266 : vector<1x16xf32> to vector<16xf32>
        %swap3A_268 = arith.index_cast %scan3A_211 : i32 to index
        %swap3A_269 = arith.constant 96 : index
        %swap3A_270 = tpu.vector_load %arg7[%swap3A_268, %swap3A_269] {strides = array<i32>} : memref<128x128xf32, #tpu.memory_space<vmem>>, vector<1x16xf32>,
        %swap3A_271 = vector.shape_cast %swap3A_270 : vector<1x16xf32> to vector<16xf32>
        %swap3A_272 = vector.shape_cast %get3A_267 : vector<16xf32> to vector<1x16xf32>
        tpu.vector_store %arg7[%swap3A_268, %swap3A_269], %swap3A_272 {add = true, strides = array<i32>} : memref<128x128xf32, #tpu.memory_space<vmem>>, vector<1x16xf32>,
        %get3A_273 = arith.index_cast %scan3A_211 : i32 to index
        %get3A_274 = arith.constant 112 : index
        %get3A_275 = tpu.vector_load %arg10[%get3A_273, %get3A_274] {strides = array<i32>} : memref<128x128xf32, #tpu.memory_space<vmem>>, vector<1x16xf32>,
        %get3A_276 = vector.shape_cast %get3A_275 : vector<1x16xf32> to vector<16xf32>
        %swap3A_277 = arith.index_cast %scan3A_211 : i32 to index
        %swap3A_278 = arith.constant 112 : index
        %swap3A_279 = tpu.vector_load %arg7[%swap3A_277, %swap3A_278] {strides = array<i32>} : memref<128x128xf32, #tpu.memory_space<vmem>>, vector<1x16xf32>,
        %swap3A_280 = vector.shape_cast %swap3A_279 : vector<1x16xf32> to vector<16xf32>
        %swap3A_281 = vector.shape_cast %get3A_276 : vector<16xf32> to vector<1x16xf32>
        tpu.vector_store %arg7[%swap3A_277, %swap3A_278], %swap3A_281 {add = true, strides = array<i32>} : memref<128x128xf32, #tpu.memory_space<vmem>>, vector<1x16xf32>,
      }
      %scan3A_195 = arith.constant 128 : i32
      %add3A_196 = arith.constant 24 : i32
      %add3A_197 = arith.addi %select_n3A, %add3A_196 : i32
      %mul3A_198 = arith.constant 128 : i32
      %mul3A_199 = arith.muli %add3A_197, %mul3A_198 : i32
      %multiple_of3A_200 = tpu.assume_multiple %mul3A_199, 128 : i32
      %dma_start3A_201 = arith.constant 0 : i32
      %dma_start3A_202 = tpu.memref_slice %arg5[%multiple_of3A_200, %dma_start3A_201] : memref<100000x128xf32, #tpu.memory_space<hbm>> -> memref<128x128xf32, #tpu.memory_space<hbm>>
      %dma_start3A_203 = arith.constant 0 : i32
      %dma_start3A_204 = tpu.memref_slice %arg5[%multiple_of3A_200, %dma_start3A_203] : memref<100000x128xf32, #tpu.memory_space<hbm>> -> memref<128x128xf32, #tpu.memory_space<hbm>>
      tpu.enqueue_dma source(%arg7 : memref<128x128xf32, #tpu.memory_space<vmem>>) target(%dma_start3A_204 : memref<128x128xf32, #tpu.memory_space<hbm>>) target_semaphore(%arg16 : memref<!tpu.dma_semaphore, #tpu.memory_space<semaphore_mem>>)
      %dma_wait3A_205 = arith.constant 0 : i32
      %dma_wait3A_206 = arith.constant 0 : i32
      %dma_wait3A_207 = tpu.memref_slice %arg2[%dma_wait3A_205, %dma_wait3A_206] : memref<100000x128xf32, #tpu.memory_space<hbm>> -> memref<128x128xf32, #tpu.memory_space<hbm>>
      %dma_wait3A_208 = arith.constant 0 : i32
      %dma_wait3A_209 = arith.constant 0 : i32
      %dma_wait3A_210 = tpu.memref_slice %arg2[%dma_wait3A_208, %dma_wait3A_209] : memref<100000x128xf32, #tpu.memory_space<hbm>> -> memref<128x128xf32, #tpu.memory_space<hbm>>
      tpu.wait_dma2 semaphore(%arg16 : memref<!tpu.dma_semaphore, #tpu.memory_space<semaphore_mem>>) src(%dma_wait3A_210 : memref<128x128xf32, #tpu.memory_space<hbm>>) dst(%arg7 : memref<128x128xf32, #tpu.memory_space<vmem>>)
    } else {
    }
    %eq3A_161 = arith.constant 31 : i32
    %eq3A_162 = arith.cmpi eq, %add3A, %eq3A_161 : i32
    %convert_element_type3A_163 = arith.extui %eq3A_162 : i1 to i32
    %cond3A_164 = arith.constant 0 : i32
    %cond3A_165 = arith.cmpi ne, %convert_element_type3A_163, %cond3A_164 : i32
    scf.if %cond3A_165 {
      %multiple_of3A_178 = arith.constant 99968 : i32
      %multiple_of3A_179 = tpu.assume_multiple %multiple_of3A_178, 128 : i32
      "tpu.region"() ({
        %run_scoped3A = tpu.sem_alloc : memref<!tpu.dma_semaphore, #tpu.memory_space<semaphore_mem>>
        %dma_start3A_202 = arith.constant 0 : i32
        %dma_start3A_203 = arith.constant 0 : i32
        %dma_start3A_204 = tpu.memref_slice %arg7[%dma_start3A_202, %dma_start3A_203] : memref<128x128xf32, #tpu.memory_space<vmem>> -> memref<32x128xf32, #tpu.memory_space<vmem>>
        %dma_start3A_205 = arith.constant 0 : i32
        %dma_start3A_206 = tpu.memref_slice %arg2[%multiple_of3A_179, %dma_start3A_205] : memref<100000x128xf32, #tpu.memory_space<hbm>> -> memref<32x128xf32, #tpu.memory_space<hbm>>
        %dma_start3A_207 = arith.constant 0 : i32
        %dma_start3A_208 = arith.constant 0 : i32
        %dma_start3A_209 = tpu.memref_slice %arg7[%dma_start3A_207, %dma_start3A_208] : memref<128x128xf32, #tpu.memory_space<vmem>> -> memref<32x128xf32, #tpu.memory_space<vmem>>
        %dma_start3A_210 = arith.constant 0 : i32
        %dma_start3A_211 = tpu.memref_slice %arg2[%multiple_of3A_179, %dma_start3A_210] : memref<100000x128xf32, #tpu.memory_space<hbm>> -> memref<32x128xf32, #tpu.memory_space<hbm>>
        tpu.enqueue_dma source(%dma_start3A_211 : memref<32x128xf32, #tpu.memory_space<hbm>>) target(%dma_start3A_209 : memref<32x128xf32, #tpu.memory_space<vmem>>) target_semaphore(%run_scoped3A : memref<!tpu.dma_semaphore, #tpu.memory_space<semaphore_mem>>)
        %dma_wait3A_212 = arith.constant 0 : i32
        %dma_wait3A_213 = arith.constant 0 : i32
        %dma_wait3A_214 = tpu.memref_slice %arg7[%dma_wait3A_212, %dma_wait3A_213] : memref<128x128xf32, #tpu.memory_space<vmem>> -> memref<32x128xf32, #tpu.memory_space<vmem>>
        %dma_wait3A_215 = arith.constant 0 : i32
        %dma_wait3A_216 = tpu.memref_slice %arg2[%multiple_of3A_179, %dma_wait3A_215] : memref<100000x128xf32, #tpu.memory_space<hbm>> -> memref<32x128xf32, #tpu.memory_space<hbm>>
        %dma_wait3A_217 = arith.constant 0 : i32
        %dma_wait3A_218 = arith.constant 0 : i32
        %dma_wait3A_219 = tpu.memref_slice %arg7[%dma_wait3A_217, %dma_wait3A_218] : memref<128x128xf32, #tpu.memory_space<vmem>> -> memref<32x128xf32, #tpu.memory_space<vmem>>
        %dma_wait3A_220 = arith.constant 0 : i32
        %dma_wait3A_221 = tpu.memref_slice %arg2[%multiple_of3A_179, %dma_wait3A_220] : memref<100000x128xf32, #tpu.memory_space<hbm>> -> memref<32x128xf32, #tpu.memory_space<hbm>>
        tpu.wait_dma2 semaphore(%run_scoped3A : memref<!tpu.dma_semaphore, #tpu.memory_space<semaphore_mem>>) src(%dma_wait3A_221 : memref<32x128xf32, #tpu.memory_space<hbm>>) dst(%dma_wait3A_219 : memref<32x128xf32, #tpu.memory_space<vmem>>)
        tpu.yield
      }) : () -> ()
      %dma_start3A_180 = arith.constant 0 : i32
      %dma_start3A_181 = arith.constant 0 : i32
      %dma_start3A_182 = tpu.memref_slice %arg10[%dma_start3A_180, %dma_start3A_181] : memref<128x128xf32, #tpu.memory_space<vmem>> -> memref<32x128xf32, #tpu.memory_space<vmem>>
      %dma_start3A_183 = arith.constant 3072 : i32
      %dma_start3A_184 = tpu.memref_slice %arg6[%dma_start3A_183] : memref<3200xi32, #tpu.memory_space<vmem>> -> memref<32xi32, #tpu.memory_space<vmem>>
      %dma_start3A_185 = arith.constant 0 : i32
      %dma_start3A_186 = arith.constant 0 : i32
      %dma_start3A_187 = tpu.memref_slice %arg4[%dma_start3A_185, %dma_start3A_186] : memref<100000x128xf32, #tpu.memory_space<hbm>> -> memref<100000x128xf32, #tpu.memory_space<hbm>>
      tpu.enqueue_indirect_dma source(%dma_start3A_187 : memref<100000x128xf32, #tpu.memory_space<hbm>>) target(%dma_start3A_182 : memref<32x128xf32, #tpu.memory_space<vmem>>) offsets(%dma_start3A_184 : memref<32xi32, #tpu.memory_space<vmem>>) semaphore(%arg13 : memref<!tpu.dma_semaphore, #tpu.memory_space<semaphore_mem>>)
      %dma_wait3A_188 = arith.constant 0 : i32
      %dma_wait3A_189 = arith.constant 0 : i32
      %dma_wait3A_190 = tpu.memref_slice %arg10[%dma_wait3A_188, %dma_wait3A_189] : memref<128x128xf32, #tpu.memory_space<vmem>> -> memref<32x128xf32, #tpu.memory_space<vmem>>
      %dma_wait3A_191 = arith.constant 3072 : i32
      %dma_wait3A_192 = tpu.memref_slice %arg6[%dma_wait3A_191] : memref<3200xi32, #tpu.memory_space<vmem>> -> memref<32xi32, #tpu.memory_space<vmem>>
      %dma_wait3A_193 = arith.constant 0 : i32
      %dma_wait3A_194 = arith.constant 0 : i32
      %dma_wait3A_195 = tpu.memref_slice %arg4[%dma_wait3A_193, %dma_wait3A_194] : memref<100000x128xf32, #tpu.memory_space<hbm>> -> memref<100000x128xf32, #tpu.memory_space<hbm>>
      tpu.wait_indirect_dma semaphore(%arg13 : memref<!tpu.dma_semaphore, #tpu.memory_space<semaphore_mem>>) src(%dma_wait3A_195 : memref<100000x128xf32, #tpu.memory_space<hbm>>) dst(%dma_wait3A_190 : memref<32x128xf32, #tpu.memory_space<vmem>>)
      %scan3A_196 = arith.constant 0 : i32
      %scan3A_197 = arith.constant 0 : i32
      %scan3A_198 = arith.constant 32 : i32
      %scan3A_199 = arith.addi %scan3A_197, %scan3A_198 : i32
      %scan3A_200 = arith.constant 1 : i32
      scf.for %scan3A_202 = %scan3A_197 to %scan3A_199 step %scan3A_200  : i32 {
        %get3A = arith.index_cast %scan3A_202 : i32 to index
        %get3A_203 = arith.constant 0 : index
        %get3A_204 = tpu.vector_load %arg10[%get3A, %get3A_203] {strides = array<i32>} : memref<128x128xf32, #tpu.memory_space<vmem>>, vector<1x16xf32>,
        %get3A_205 = vector.shape_cast %get3A_204 : vector<1x16xf32> to vector<16xf32>
        %swap3A = arith.index_cast %scan3A_202 : i32 to index
        %swap3A_206 = arith.constant 0 : index
        %swap3A_207 = tpu.vector_load %arg7[%swap3A, %swap3A_206] {strides = array<i32>} : memref<128x128xf32, #tpu.memory_space<vmem>>, vector<1x16xf32>,
        %swap3A_208 = vector.shape_cast %swap3A_207 : vector<1x16xf32> to vector<16xf32>
        %swap3A_209 = vector.shape_cast %get3A_205 : vector<16xf32> to vector<1x16xf32>
        tpu.vector_store %arg7[%swap3A, %swap3A_206], %swap3A_209 {add = true, strides = array<i32>} : memref<128x128xf32, #tpu.memory_space<vmem>>, vector<1x16xf32>,
        %get3A_210 = arith.index_cast %scan3A_202 : i32 to index
        %get3A_211 = arith.constant 16 : index
        %get3A_212 = tpu.vector_load %arg10[%get3A_210, %get3A_211] {strides = array<i32>} : memref<128x128xf32, #tpu.memory_space<vmem>>, vector<1x16xf32>,
        %get3A_213 = vector.shape_cast %get3A_212 : vector<1x16xf32> to vector<16xf32>
        %swap3A_214 = arith.index_cast %scan3A_202 : i32 to index
        %swap3A_215 = arith.constant 16 : index
        %swap3A_216 = tpu.vector_load %arg7[%swap3A_214, %swap3A_215] {strides = array<i32>} : memref<128x128xf32, #tpu.memory_space<vmem>>, vector<1x16xf32>,
        %swap3A_217 = vector.shape_cast %swap3A_216 : vector<1x16xf32> to vector<16xf32>
        %swap3A_218 = vector.shape_cast %get3A_213 : vector<16xf32> to vector<1x16xf32>
        tpu.vector_store %arg7[%swap3A_214, %swap3A_215], %swap3A_218 {add = true, strides = array<i32>} : memref<128x128xf32, #tpu.memory_space<vmem>>, vector<1x16xf32>,
        %get3A_219 = arith.index_cast %scan3A_202 : i32 to index
        %get3A_220 = arith.constant 32 : index
        %get3A_221 = tpu.vector_load %arg10[%get3A_219, %get3A_220] {strides = array<i32>} : memref<128x128xf32, #tpu.memory_space<vmem>>, vector<1x16xf32>,
        %get3A_222 = vector.shape_cast %get3A_221 : vector<1x16xf32> to vector<16xf32>
        %swap3A_223 = arith.index_cast %scan3A_202 : i32 to index
        %swap3A_224 = arith.constant 32 : index
        %swap3A_225 = tpu.vector_load %arg7[%swap3A_223, %swap3A_224] {strides = array<i32>} : memref<128x128xf32, #tpu.memory_space<vmem>>, vector<1x16xf32>,
        %swap3A_226 = vector.shape_cast %swap3A_225 : vector<1x16xf32> to vector<16xf32>
        %swap3A_227 = vector.shape_cast %get3A_222 : vector<16xf32> to vector<1x16xf32>
        tpu.vector_store %arg7[%swap3A_223, %swap3A_224], %swap3A_227 {add = true, strides = array<i32>} : memref<128x128xf32, #tpu.memory_space<vmem>>, vector<1x16xf32>,
        %get3A_228 = arith.index_cast %scan3A_202 : i32 to index
        %get3A_229 = arith.constant 48 : index
        %get3A_230 = tpu.vector_load %arg10[%get3A_228, %get3A_229] {strides = array<i32>} : memref<128x128xf32, #tpu.memory_space<vmem>>, vector<1x16xf32>,
        %get3A_231 = vector.shape_cast %get3A_230 : vector<1x16xf32> to vector<16xf32>
        %swap3A_232 = arith.index_cast %scan3A_202 : i32 to index
        %swap3A_233 = arith.constant 48 : index
        %swap3A_234 = tpu.vector_load %arg7[%swap3A_232, %swap3A_233] {strides = array<i32>} : memref<128x128xf32, #tpu.memory_space<vmem>>, vector<1x16xf32>,
        %swap3A_235 = vector.shape_cast %swap3A_234 : vector<1x16xf32> to vector<16xf32>
        %swap3A_236 = vector.shape_cast %get3A_231 : vector<16xf32> to vector<1x16xf32>
        tpu.vector_store %arg7[%swap3A_232, %swap3A_233], %swap3A_236 {add = true, strides = array<i32>} : memref<128x128xf32, #tpu.memory_space<vmem>>, vector<1x16xf32>,
        %get3A_237 = arith.index_cast %scan3A_202 : i32 to index
        %get3A_238 = arith.constant 64 : index
        %get3A_239 = tpu.vector_load %arg10[%get3A_237, %get3A_238] {strides = array<i32>} : memref<128x128xf32, #tpu.memory_space<vmem>>, vector<1x16xf32>,
        %get3A_240 = vector.shape_cast %get3A_239 : vector<1x16xf32> to vector<16xf32>
        %swap3A_241 = arith.index_cast %scan3A_202 : i32 to index
        %swap3A_242 = arith.constant 64 : index
        %swap3A_243 = tpu.vector_load %arg7[%swap3A_241, %swap3A_242] {strides = array<i32>} : memref<128x128xf32, #tpu.memory_space<vmem>>, vector<1x16xf32>,
        %swap3A_244 = vector.shape_cast %swap3A_243 : vector<1x16xf32> to vector<16xf32>
        %swap3A_245 = vector.shape_cast %get3A_240 : vector<16xf32> to vector<1x16xf32>
        tpu.vector_store %arg7[%swap3A_241, %swap3A_242], %swap3A_245 {add = true, strides = array<i32>} : memref<128x128xf32, #tpu.memory_space<vmem>>, vector<1x16xf32>,
        %get3A_246 = arith.index_cast %scan3A_202 : i32 to index
        %get3A_247 = arith.constant 80 : index
        %get3A_248 = tpu.vector_load %arg10[%get3A_246, %get3A_247] {strides = array<i32>} : memref<128x128xf32, #tpu.memory_space<vmem>>, vector<1x16xf32>,
        %get3A_249 = vector.shape_cast %get3A_248 : vector<1x16xf32> to vector<16xf32>
        %swap3A_250 = arith.index_cast %scan3A_202 : i32 to index
        %swap3A_251 = arith.constant 80 : index
        %swap3A_252 = tpu.vector_load %arg7[%swap3A_250, %swap3A_251] {strides = array<i32>} : memref<128x128xf32, #tpu.memory_space<vmem>>, vector<1x16xf32>,
        %swap3A_253 = vector.shape_cast %swap3A_252 : vector<1x16xf32> to vector<16xf32>
        %swap3A_254 = vector.shape_cast %get3A_249 : vector<16xf32> to vector<1x16xf32>
        tpu.vector_store %arg7[%swap3A_250, %swap3A_251], %swap3A_254 {add = true, strides = array<i32>} : memref<128x128xf32, #tpu.memory_space<vmem>>, vector<1x16xf32>,
        %get3A_255 = arith.index_cast %scan3A_202 : i32 to index
        %get3A_256 = arith.constant 96 : index
        %get3A_257 = tpu.vector_load %arg10[%get3A_255, %get3A_256] {strides = array<i32>} : memref<128x128xf32, #tpu.memory_space<vmem>>, vector<1x16xf32>,
        %get3A_258 = vector.shape_cast %get3A_257 : vector<1x16xf32> to vector<16xf32>
        %swap3A_259 = arith.index_cast %scan3A_202 : i32 to index
        %swap3A_260 = arith.constant 96 : index
        %swap3A_261 = tpu.vector_load %arg7[%swap3A_259, %swap3A_260] {strides = array<i32>} : memref<128x128xf32, #tpu.memory_space<vmem>>, vector<1x16xf32>,
        %swap3A_262 = vector.shape_cast %swap3A_261 : vector<1x16xf32> to vector<16xf32>
        %swap3A_263 = vector.shape_cast %get3A_258 : vector<16xf32> to vector<1x16xf32>
        tpu.vector_store %arg7[%swap3A_259, %swap3A_260], %swap3A_263 {add = true, strides = array<i32>} : memref<128x128xf32, #tpu.memory_space<vmem>>, vector<1x16xf32>,
        %get3A_264 = arith.index_cast %scan3A_202 : i32 to index
        %get3A_265 = arith.constant 112 : index
        %get3A_266 = tpu.vector_load %arg10[%get3A_264, %get3A_265] {strides = array<i32>} : memref<128x128xf32, #tpu.memory_space<vmem>>, vector<1x16xf32>,
        %get3A_267 = vector.shape_cast %get3A_266 : vector<1x16xf32> to vector<16xf32>
        %swap3A_268 = arith.index_cast %scan3A_202 : i32 to index
        %swap3A_269 = arith.constant 112 : index
        %swap3A_270 = tpu.vector_load %arg7[%swap3A_268, %swap3A_269] {strides = array<i32>} : memref<128x128xf32, #tpu.memory_space<vmem>>, vector<1x16xf32>,
        %swap3A_271 = vector.shape_cast %swap3A_270 : vector<1x16xf32> to vector<16xf32>
        %swap3A_272 = vector.shape_cast %get3A_267 : vector<16xf32> to vector<1x16xf32>
        tpu.vector_store %arg7[%swap3A_268, %swap3A_269], %swap3A_272 {add = true, strides = array<i32>} : memref<128x128xf32, #tpu.memory_space<vmem>>, vector<1x16xf32>,
      }
      %scan3A_201 = arith.constant 32 : i32
      "tpu.region"() ({
        %run_scoped3A = tpu.sem_alloc : memref<!tpu.dma_semaphore, #tpu.memory_space<semaphore_mem>>
        %dma_start3A_202 = arith.constant 0 : i32
        %dma_start3A_203 = arith.constant 0 : i32
        %dma_start3A_204 = tpu.memref_slice %arg7[%dma_start3A_202, %dma_start3A_203] : memref<128x128xf32, #tpu.memory_space<vmem>> -> memref<32x128xf32, #tpu.memory_space<vmem>>
        %dma_start3A_205 = arith.constant 0 : i32
        %dma_start3A_206 = tpu.memref_slice %arg5[%multiple_of3A_179, %dma_start3A_205] : memref<100000x128xf32, #tpu.memory_space<hbm>> -> memref<32x128xf32, #tpu.memory_space<hbm>>
        %dma_start3A_207 = arith.constant 0 : i32
        %dma_start3A_208 = tpu.memref_slice %arg5[%multiple_of3A_179, %dma_start3A_207] : memref<100000x128xf32, #tpu.memory_space<hbm>> -> memref<32x128xf32, #tpu.memory_space<hbm>>
        %dma_start3A_209 = arith.constant 0 : i32
        %dma_start3A_210 = arith.constant 0 : i32
        %dma_start3A_211 = tpu.memref_slice %arg7[%dma_start3A_209, %dma_start3A_210] : memref<128x128xf32, #tpu.memory_space<vmem>> -> memref<32x128xf32, #tpu.memory_space<vmem>>
        tpu.enqueue_dma source(%dma_start3A_211 : memref<32x128xf32, #tpu.memory_space<vmem>>) target(%dma_start3A_208 : memref<32x128xf32, #tpu.memory_space<hbm>>) target_semaphore(%run_scoped3A : memref<!tpu.dma_semaphore, #tpu.memory_space<semaphore_mem>>)
        %dma_wait3A_212 = arith.constant 0 : i32
        %dma_wait3A_213 = arith.constant 0 : i32
        %dma_wait3A_214 = tpu.memref_slice %arg7[%dma_wait3A_212, %dma_wait3A_213] : memref<128x128xf32, #tpu.memory_space<vmem>> -> memref<32x128xf32, #tpu.memory_space<vmem>>
        %dma_wait3A_215 = arith.constant 0 : i32
        %dma_wait3A_216 = tpu.memref_slice %arg5[%multiple_of3A_179, %dma_wait3A_215] : memref<100000x128xf32, #tpu.memory_space<hbm>> -> memref<32x128xf32, #tpu.memory_space<hbm>>
        %dma_wait3A_217 = arith.constant 0 : i32
        %dma_wait3A_218 = tpu.memref_slice %arg5[%multiple_of3A_179, %dma_wait3A_217] : memref<100000x128xf32, #tpu.memory_space<hbm>> -> memref<32x128xf32, #tpu.memory_space<hbm>>
        %dma_wait3A_219 = arith.constant 0 : i32
        %dma_wait3A_220 = arith.constant 0 : i32
        %dma_wait3A_221 = tpu.memref_slice %arg7[%dma_wait3A_219, %dma_wait3A_220] : memref<128x128xf32, #tpu.memory_space<vmem>> -> memref<32x128xf32, #tpu.memory_space<vmem>>
        tpu.wait_dma2 semaphore(%run_scoped3A : memref<!tpu.dma_semaphore, #tpu.memory_space<semaphore_mem>>) src(%dma_wait3A_221 : memref<32x128xf32, #tpu.memory_space<vmem>>) dst(%dma_wait3A_218 : memref<32x128xf32, #tpu.memory_space<hbm>>)
        tpu.yield
      }) : () -> ()
    } else {
    }
    %dma_wait3A_166 = arith.constant 0 : i32
    %dma_wait3A_167 = arith.constant 0 : i32
    %dma_wait3A_168 = tpu.memref_slice %arg2[%dma_wait3A_166, %dma_wait3A_167] : memref<100000x128xf32, #tpu.memory_space<hbm>> -> memref<128x128xf32, #tpu.memory_space<hbm>>
    %dma_wait3A_169 = arith.constant 0 : i32
    %dma_wait3A_170 = arith.constant 0 : i32
    %dma_wait3A_171 = tpu.memref_slice %arg2[%dma_wait3A_169, %dma_wait3A_170] : memref<100000x128xf32, #tpu.memory_space<hbm>> -> memref<128x128xf32, #tpu.memory_space<hbm>>
    tpu.wait_dma2 semaphore(%arg17 : memref<!tpu.dma_semaphore, #tpu.memory_space<semaphore_mem>>) src(%dma_wait3A_171 : memref<128x128xf32, #tpu.memory_space<hbm>>) dst(%arg8 : memref<128x128xf32, #tpu.memory_space<vmem>>)
    %dma_wait3A_172 = arith.constant 0 : i32
    %dma_wait3A_173 = arith.constant 0 : i32
    %dma_wait3A_174 = tpu.memref_slice %arg2[%dma_wait3A_172, %dma_wait3A_173] : memref<100000x128xf32, #tpu.memory_space<hbm>> -> memref<128x128xf32, #tpu.memory_space<hbm>>
    %dma_wait3A_175 = arith.constant 0 : i32
    %dma_wait3A_176 = arith.constant 0 : i32
    %dma_wait3A_177 = tpu.memref_slice %arg2[%dma_wait3A_175, %dma_wait3A_176] : memref<100000x128xf32, #tpu.memory_space<hbm>> -> memref<128x128xf32, #tpu.memory_space<hbm>>
    tpu.wait_dma2 semaphore(%arg18 : memref<!tpu.dma_semaphore, #tpu.memory_space<semaphore_mem>>) src(%dma_wait3A_177 : memref<128x128xf32, #tpu.memory_space<hbm>>) dst(%arg9 : memref<128x128xf32, #tpu.memory_space<vmem>>)
    return
  }
}

</mosaic_0001>

<sc_bundles>
// kernel: kernel.3.cloned.1.call-start
scs
__scs_entry_jumppad:
0x0: {  	(pc) =	sbr.rel $0x88, $3  }
0x1: {  	(tag) =	ssettag $0x0;
	lr =	simm.s32 $0x1  }
0x2: {  	[smem:$0x3F9E] =	sst lr;
	_ =	strace $0xD0000000  }
0x3: {  	_ = 	snop  }
0x4: {  	_ = 	snop  }
0x5: {  	_ = 	snop  }
0x6: {  	_ = 	snop  }
0x7: {  	_ = 	snop  }
__scs_overlays_trampoline_lowered:
0x8: {  	[smem:$0x3FAD] =	sst s0  }
0x9: {  	[smem:$0x3FAE] =	sst s1  }
0xa: {  	[smem:$0x3FAF] =	sst s2  }
0xb: {  	[smem:$0x3FB0] =	sst s3  }
0xc: {  	[smem:$0x3FB1] =	sst s4  }
0xd: {  	[smem:$0x3FB2] =	sst s5  }
0xe: {  	[smem:$0x3FB3] =	sst s6  }
0xf: {  	[smem:$0x3FB4] =	sst s7  }
0x10: {  	[smem:$0x3FB5] =	sst s8  }
0x11: {  	[smem:$0x3FB6] =	sst s9;
	s0 =	simm.s32 @!p0 $0x0  }
0x12: {  	s1 =	sld [smem:$0x3F9C];
	s0 =	simm.s32 @p0 $0x1  }
0x13: {  	[smem:$0x3FB7] =	sst s0;
	s0 =	simm.s32 @!p1 $0x0  }
0x14: {  	s2 =	sld [smem:$0x3F9B];
	s0 =	simm.s32 @p1 $0x1  }
0x15: {  	[smem:$0x3FB8] =	sst s0;
	s0 =	simm.s32 @!p2 $0x0  }
0x16: {  	s3 =	sld [smem:$0x3FDB];
	s0 =	simm.s32 @p2 $0x1  }
0x17: {  	s4 =	simm.s32 $0x1BF5;
	[smem:$0x3FBA] =	sst s0  }
0x18: {  	s0 =	sld [smem:$0x3F9D];
	_ =	swait.ge [sflag:s4], $0x0  }
0x19: {  	s7 =	sld [smem:$0x3F9E]  }
0x1a: {  	s8 =	sadd.s32 $0xFFFFE003, lr  }
0x1b: {  	s9 =	sadd.s32 $0xFFFFFEF7, lr;
	s5 =	simm.s32 $0xFFFFFFFF;
	p2 =	slt.u32 s8, $0xFFFFF086  }
0x1c: {  	p1 =	slt.u32 s9, $0xF7A;
	s5 =	simm.s32 @!p2 $0x0  }
0x1d: {  	s5 =	simm.s32 @p1 $0x1;
	p0 =	seq.s32 s7, s2  }
0x1e: {  	s7 =	smul.u32 @!p0 $0xF7A, s2;
	p2 =	seq.s32 @!p0 s5, $0x0  }
0x1f: {  	s9 =	smul.u32 $0xF7A, s1;
	s8 =	simm.s32 @!p0 $0x1BF5;
	p2 =	por !p2, p0  }
0x20: {  	[sflag:s8] =	ssyncset.s32 @!p0 $0xFFFFF086;
	s6 =	sadd.s32 @!p0 s3, s7;
	s7 =	simm.s32 @!p0 $0x108  }
0x21: {  	s3 =	sadd.s32 s3, s9;
	s6 =	sadd.s32 @!p0 $0x88, s6;
	s7 =	simm.s32 @p2 $0x1082  }
0x22: {  	[simem:s7], [sflag:s8] =	dma.local @!p0 [hbm:s6], $0xF7A  }
0x23: {  	s9 =	sor.u32 $0xD0000000, s2;
	s6 =	simm.s32 $0x108;
	_ =	swait.ge @!p0 [sflag:s8], $0x0  }
0x24: {  	s3 =	sadd.s32 $0x88, s3;
	s6 =	simm.s32 @!p1 $0x1082;
	[sflag:s4] =	ssyncset.s32 $0xFFFFF086  }
0x25: {  	[simem:s6], [sflag:s4] =	dma.local [hbm:s3], $0xF7A  }
0x26: {  	[smem:$0x3F9E] =	sst s1;
	(tag) =	ssettag s2;
	_ =	strace s9  }
0x27: {  	s1 =	sld [smem:$0x3FAE]  }
0x28: {  	s2 =	sld [smem:$0x3FAF]  }
0x29: {  	s4 =	sld [smem:$0x3FB1]  }
0x2a: {  	p0 =	seq.s32 s5, $0x0;
	s5 =	sld [smem:$0x3FB2]  }
0x2b: {  	s6 =	sld [smem:$0x3FB3]  }
0x2c: {  	s7 =	sld [smem:$0x3FB4]  }
0x2d: {  	s3 =	simm.s32 $0x108;
	s8 =	sld [smem:$0x3FB5]  }
0x2e: {  	s3 =	simm.s32 @!p0 $0x1082;
	s9 =	sld [smem:$0x3FB6]  }
0x2f: {  	lr =	sadd.s32 s0, s3;
	s0 =	sld [smem:$0x3FAD]  }
0x30: {  	s3 =	sld [smem:$0x3FB0]  }
0x31: {  	[smem:$0x3FB9] =	sst s10  }
0x32: {  	s10 =	sld [smem:$0x3FB7];
	_ =	sdelay $0x3  }
0x33: {  	p0 =	seq.s32 s10, $0x1;
	s10 =	sld [smem:$0x3FB9];
	_ =	sdelay $0x3  }
0x34: {  	[smem:$0x3FB9] =	sst s10  }
0x35: {  	s10 =	sld [smem:$0x3FB8];
	_ =	sdelay $0x3  }
0x36: {  	p1 =	seq.s32 s10, $0x1;
	s10 =	sld [smem:$0x3FB9];
	_ =	sdelay $0x3  }
0x37: {  	[smem:$0x3FB9] =	sst s10  }
0x38: {  	s10 =	sld [smem:$0x3FBA]  }
0x39: {  	_ = 	snop;
	(pc) =	sbr.ind lr, $3  }
0x3a: {  	_ = 	snop  }
0x3b: {  	_ = 	snop  }
0x3c: {  	p2 =	seq.s32 s10, $0x1;
	s10 =	sld [smem:$0x3FB9]  }
0x3d: {  	_ =	shalt  }
0x3e: {  	_ =	shalt  }
0x3f: {  	_ =	shalt  }
0x40: {  	_ =	shalt  }
0x41: {  	_ =	shalt  }
0x42: {  	_ =	shalt  }
0x43: {  	_ =	shalt  }
0x44: {  	_ =	shalt  }
0x45: {  	_ =	shalt  }
0x46: {  	_ =	shalt  }
0x47: {  	_ =	shalt  }
0x48: {  	_ =	shalt  }
0x49: {  	_ =	shalt  }
0x4a: {  	_ =	shalt  }
0x4b: {  	_ =	shalt  }
0x4c: {  	_ =	shalt  }
0x4d: {  	_ =	shalt  }
0x4e: {  	_ =	shalt  }
0x4f: {  	_ =	shalt  }
0x50: {  	_ =	shalt  }
0x51: {  	_ =	shalt  }
0x52: {  	_ =	shalt  }
0x53: {  	_ =	shalt  }
0x54: {  	_ =	shalt  }
0x55: {  	_ =	shalt  }
0x56: {  	_ =	shalt  }
0x57: {  	_ =	shalt  }
0x58: {  	_ =	shalt  }
0x59: {  	_ =	shalt  }
0x5a: {  	_ =	shalt  }
0x5b: {  	_ =	shalt  }
0x5c: {  	_ =	shalt  }
0x5d: {  	_ =	shalt  }
0x5e: {  	_ =	shalt  }
0x5f: {  	_ =	shalt  }
0x60: {  	_ =	shalt  }
0x61: {  	_ =	shalt  }
0x62: {  	_ =	shalt  }
0x63: {  	_ =	shalt  }
0x64: {  	_ =	shalt  }
0x65: {  	_ =	shalt  }
0x66: {  	_ =	shalt  }
0x67: {  	_ =	shalt  }
0x68: {  	_ =	shalt  }
0x69: {  	_ =	shalt  }
0x6a: {  	_ =	shalt  }
0x6b: {  	_ =	shalt  }
0x6c: {  	_ =	shalt  }
0x6d: {  	_ =	shalt  }
0x6e: {  	_ =	shalt  }
0x6f: {  	_ =	shalt  }
0x70: {  	_ =	shalt  }
0x71: {  	_ =	shalt  }
0x72: {  	_ =	shalt  }
0x73: {  	_ =	shalt  }
0x74: {  	_ =	shalt  }
0x75: {  	_ =	shalt  }
0x76: {  	_ =	shalt  }
0x77: {  	_ =	shalt  }
0x78: {  	_ =	shalt  }
0x79: {  	_ =	shalt  }
0x7a: {  	_ =	shalt  }
0x7b: {  	_ =	shalt  }
0x7c: {  	_ =	shalt  }
0x7d: {  	_ =	shalt  }
0x7e: {  	_ =	shalt  }
0x7f: {  	_ =	shalt  }
0x80: {  	_ =	shalt  }
0x81: {  	_ =	shalt  }
0x82: {  	_ =	shalt  }
0x83: {  	_ =	shalt  }
0x84: {  	_ =	shalt  }
0x85: {  	_ =	shalt  }
0x86: {  	_ =	shalt  }
0x87: {  	_ =	shalt  }
.Lfunc_end0:
.L_simem_size_0:
called_computation_lowered:
.L_overlay_start_0:
0x88: {  	s2 =	sld [smem:$0x3FD9]  }
0x89: {  	s3 =	sld [smem:$0x3FFE];
	_ =	sdelay $0x1  }
0x8a: {  	s1 =	srdreg.scid  }
0x8b: {  	s0 =	sand.u32 $0x1, s1  }
0x8c: {  	s18 =	sshll.u32 s0, $0xA;
	s2 =	sadd.s32 s3, s2  }
0x8d: {  	s2 =	sadd.s32 s2, s18  }
0x8e: {  	[smem:$0x3FC5] =	sst s2  }
0x8f: {  	_ = 	snop  }
0x90: {  	s2 =	sld [smem:$0x3FC9]  }
0x91: {  	s19 =	sld [smem:$0x3FC8]  }
0x92: {  	s4 =	sld [smem:$0x3FC7]  }
0x93: {  	s5 =	sld [smem:$0x3FD0];
	(tm) =	ssettm $0x1  }
0x94: {  	s6 =	sld [smem:$0x3FFB];
	_ =	sdelay $0x3  }
0x95: {  	_ =	strace s6  }
0x96: {  	s6 =	sld [smem:$0x3FFC];
	_ =	sdelay $0x3  }
0x97: {  	_ =	strace s6  }
0x98: {  	s6 =	sld [smem:$0x3FFD];
	_ =	sdelay $0x3  }
0x99: {  	_ =	strace s6  }
0x9a: {  	_ =	strace $0x8FFFFFFF  }
0x9b: {  	s20 =	sld [smem:$0x3FDB];
	_ =	sdelay $0x1  }
0x9c: {  	s7 =	simm.s32 $_scs_section_size  }
0x9d: {  	s8 =	simm.s32 $_size__tile_overlayer_lowered;
	s9 =	simm.s32 $_tile_overlayer_lowered  }
0x9e: {  	s23 =	simm.s32 $0x1BFF;
	s22 =	sshll.u32 s9, $0x1;
	s6 =	sadd.s32 s7, s20  }
0x9f: {  	s10 =	simm.s32 $0x0;
	s21 =	sshll.u32 s8, $0x1;
	s8 =	sadd.s32 s22, s6  }
0xa0: {  	[timem:s10], [sflag:s23] =	dma.local [hbm:s8], s21  }
0xa1: {  	_ =	swait.ge [sflag:s23], s21  }
0xa2: {  	s7 =	ssub.s32 $0x0, s21;
	[sflag:s23] =	ssyncset.done $0x0  }
0xa3: {  	[sflag:s23] =	ssyncadd.s32 s7;
	_ =	sdelay $0x1  }
0xa4: {  	s24 =	simm.s32 $0x1B8B  }
0xa5: {  	_ =	swait.ge [sflag:s24], $0x1  }
0xa6: {  	[sflag:s24] =	ssyncset.done $0x0  }
0xa7: {  	s25 =	simm.s32 $0x1B8E;
	[sflag:s24] =	ssyncadd.s32 $0xFFFFFFFF  }
0xa8: {  	s26 =	simm.s32 $execute0_lowered;
	[smem:$0x3FD2] =	sst s25  }
0xa9: {  	s7 =	sshll.u32 s26, $0x1;
	_ =	strace $0x80000046;
	[dreg:$0x1] =	wrdreg $0xFFFFFFFF  }
0xaa: {  	s28 =	simm.s32 $_size_execute0_lowered;
	s6 =	sadd.s32 s6, s7;
	[dreg:$0x0] =	wrdreg $0x0  }
0xab: {  	s7 =	sshll.u32 s28, $0x1;
	[dreg:$0x2] =	wrdreg s6  }
0xac: {  	[dreg:$0x3] =	wrdreg s7  }
0xad: {  	[dreg:$0x4] =	wrdreg $0xC0  }
0xae: {  	_ =	task [dreg:s10], $0x5FFFF  }
0xaf: {  	[dreg:$0x1] =	wrdreg $0xFFFFFFFF  }
0xb0: {  	[dreg:$0x0] =	wrdreg $0x60  }
0xb1: {  	[dreg:$0x2] =	wrdreg s2  }
0xb2: {  	[dreg:$0x3] =	wrdreg s19  }
0xb3: {  	[dreg:$0x4] =	wrdreg s4  }
0xb4: {  	[dreg:$0x5] =	wrdreg s5  }
0xb5: {  	[dreg:$0x6] =	wrdreg $0x9  }
0xb6: {  	_ =	task.clear_ibuf [dreg:s10], $0x7FFFF;
	_ =	strace $0x90000046  }
0xb7: {  	s29 =	simm.s32 $0x9;
	_ =	strace $0x80000048  }
0xb8: {  	_ =	swait.ge [sflag:s29], $0x1  }
0xb9: {  	[sflag:s29] =	ssyncadd.s32 $0xFFFFFFFF  }
0xba: {  	_ =	strace $0x90000048  }
0xbb: {  	_ =	sfence  }
0xbc: {  	s30 =	sld [smem:$0x0];
	_ =	sdelay $0x2  }
0xbd: {  	s31 =	sshll.u32 s1, $0xD;
	s1 =	sshrl.u32 s1, $0x2  }
0xbe: {  	s3 =	sand.u32 $0x4000, s31;
	s1 =	sadd.s32 s1, s30  }
0xbf: {  	s0 =	sor.u32 s3, s0;
	s1 =	sshll.u32 s1, $0x11  }
0xc0: {  	s0 =	sor.u32 s1, s0  }
0xc1: {  	s0 =	sadd.s32 $0x8F2B, s0  }
0xc2: {  	[sflag:s0] =	ssyncadd.remote.s32 $0x1  }
0xc3: {  	_ =	sfence.sel $0xFFFF  }
0xc4: {  	[dreg:$0x0] =	wrdreg $0xFFFFFFFF;
	(pc) =	sbr.abs _section_cstart, $3  }
0xc5: {  	[dreg:$0x1] =	wrdreg $0xFFFFFFFF  }
0xc6: {  	_ =	task.clear_ibuf [dreg:s10], $0x2FFFF;
	_ =	strace $0x9FFFFFFF  }
0xc7: {  	(tm) =	ssettm $0x7FFFFFFF  }
tec
execute0_lowered:
.L_overlay_start_1:
0x0: {  	(tag) =	ssettag $0x1  }
0x1: {  	s1 =	rddreg [dreg:$0x0]  }
0x2: {  	s7 =	rddreg [dreg:$0x1]  }
0x3: {  	s0 =	srdreg.scid;
	s3 =	rddreg [dreg:$0x2]  }
0x4: {  	s2 =	stileid.u32;
	s4 =	rddreg [dreg:$0x3]  }
0x5: {  	s6 =	simm.s32 $0x0;
	s28 =	simm.s32 $0x10C80;
	s29 =	simm.s32 $0x1  }
0x6: {  	s30 =	simm.s32 $0x8C80;
	s31 =	simm.s32 $0x4;
	s0 =	sand.u32 $0x1, s0  }
0x7: {  	s2 =	sshll.u32 s2, $0x1;
	[smem:$0x7FF] =	sst s6;
	s18 =	sadd.s32 $0x30D0, s7  }
0x8: {  	s25 =	sadd.s32 $0x186800, s1;
	_ =	strace $0x80000047;
	[dreg:$0x6] =	wrdreg s18  }
0x9: {  	s26 =	sadd.s32 $0x186800, s4;
	s2 =	sor.u32 s0, s2;
	[dreg:$0xe] =	wrdreg s25  }
0xa: {  	s0 =	ssub.s32 $0x2, s0;
	[dreg:$0xf] =	wrdreg s26;
	s5 =	smul.u32 $0x18, s2  }
0xb: {  	s25 =	simm.s32 $0xCC80;
	s26 =	simm.s32 $0x4C80;
	s8 =	smul.u32 $0x19, s2  }
0xc: {  	p0 =	slt.u32 s2, $0xD;
	s16 =	sshrl.u32 s0, $0x1;
	s5 =	sadd.s32 $0xD, s5  }
0xd: {  	s17 =	smul.u32 $0x190, s2;
	s0 =	ssub.s32 s0, s16;
	s9 =	sshll.u32 s5, $0x4  }
0xe: {  	s5 =	smov.u32 @p0 s8;
	p0 =	sgt.u32 s2, $0xC;
	s8 =	simm.s32 $0x0  }
0xf: {  	s10 =	sshll.u32 s5, $0xB;
	s9 =	sadd.s32 s7, s9;
	s7 =	sadd.s32 s7, s17  }
0x10: {  	s14 =	sadd.s32 $0x1, s5;
	s15 =	sadd.s32 $0x2, s5;
	s10 =	sand.u32 $0x1FFFF800, s10  }
0x11: {  	p2 =	sne.s32 @p0 s2, $0x1F;
	[dreg:$0x5] =	wrdreg s9;
	s9 =	sadd.s32 s1, s10  }
0x12: {  	s2 =	simm.s32 $0x14C80;
	[dreg:$0x7] =	wrdreg s7;
	s19 =	sadd.s32 $0x800, s9  }
0x13: {  	s12 =	sadd.s32 s4, s10;
	s20 =	sadd.s32 $0x1000, s9;
	[dreg:$0x8] =	wrdreg s19  }
0x14: {  	s21 =	sadd.s32 $0xC000, s10;
	s22 =	sadd.s32 $0xB000, s12;
	[dreg:$0x9] =	wrdreg s20  }
0x15: {  	p1 =	por p2, !p0;
	s23 =	sadd.s32 s1, s21;
	[dreg:$0xa] =	wrdreg s22  }
.Ltmp0:
0x16: {  	s24 =	sadd.s32 $0xB800, s12;
	[dreg:$0xb] =	wrdreg s23;
	(pc) =	sbr.rel .LBB2_1-.Ltmp0, $4  }
0x17: {  	p2 =	por !p2, !p0;
	s7 =	sadd.s32 s4, s21;
	[dreg:$0xc] =	wrdreg s24  }
0x18: {  	s21 =	simm.s32 $0x6;
	[dreg:$0xd] =	wrdreg s7;
	s22 =	smax.u32 s0, $0x1  }
0x19: {  	s23 =	simm.s32 $0xC80;
	s24 =	simm.s32 $0x80;
	s0 =	simm.s32 $0x2  }
0x1a: {  	s19 =	simm.s32 $0x3;
	s20 =	simm.s32 $0x5;
	s7 =	simm.s32 $0x7  }
.LBB2_23:
0x1b: {  	s8 =	sadd.s32 $0x1, s8  }
0x1c: {  	_ =	swait.ge [sflag:s20], $0x4000;
	p3 =	sne.s32 s8, s22  }
.Ltmp1:
0x1d: {  	[sflag:s20] =	ssyncset.done $0x0;
	(pc) =	sbr.rel @!p3 .LBB2_24-.Ltmp1, $4  }
0x1e: {  	[sflag:s20] =	ssyncadd.s32 $0xFFFFC000  }
0x1f: {  	_ =	swait.ge [sflag:s21], $0x4000  }
0x20: {  	[sflag:s21] =	ssyncset.done $0x0  }
0x21: {  	[sflag:s21] =	ssyncadd.s32 $0xFFFFC000  }
.LBB2_1:
0x22: {  	s10 =	simm.s32 @p0 $0x0;
	s11 =	rddreg [dreg:$0x5]  }
0x23: {  	[tilespmem:s10], [sflag:$0x7] =	stream.linear.gather @p0 [hbm4b:s11+s10], $0xC00, $0x38;
	[tilespmem:$0x18C80] =	vst v63  }
0x24: {  	s10 =	simm.s32 @p0 $0x7  }
0x25: {  	_ =	swait.ge @p0 [sflag:s10], $0xC00  }
0x26: {  	s11 =	simm.s32 @!p1 $0xC00;
	[sflag:s10] =	ssyncset.done @p0 $0x0  }
0x27: {  	s13 =	rddreg [dreg:$0x6];
	[sflag:s10] =	ssyncadd.s32 @p0 $0xFFFFF400;
	s10 =	simm.s32 @!p1 $0x0  }
0x28: {  	[tilespmem:s11], [sflag:$0x7] =	stream.linear.gather @!p1 [hbm4b:s13+s10], $0x20, $0x38;
	[tilespmem:$0x18C80] =	vst v63  }
0x29: {  	s10 =	simm.s32 @!p1 $0x7  }
0x2a: {  	_ =	swait.ge @!p1 [sflag:s10], $0x20  }
0x2b: {  	[sflag:s10] =	ssyncset.done @!p1 $0x0  }
0x2c: {  	s11 =	rddreg [dreg:$0x7];
	[sflag:s10] =	ssyncadd.s32 @!p1 $0xFFFFFFE0;
	s10 =	simm.s32 @!p0 $0x0  }
0x2d: {  	[tilespmem:s10], [sflag:$0x7] =	stream.linear.gather @!p0 [hbm4b:s11+s10], $0xC80, $0x38;
	[tilespmem:$0x18C80] =	vst v63  }
0x2e: {  	s10 =	simm.s32 @!p0 $0x7  }
0x2f: {  	_ =	swait.ge @!p0 [sflag:s10], $0xC80  }
0x30: {  	[sflag:s10] =	ssyncset.done @!p0 $0x0  }
0x31: {  	[sflag:s10] =	ssyncadd.s32 @!p0 $0xFFFFF380  }
0x32: {  	[tilespmem:s23], [sflag:$0x1] =	stream.linear.gather [hbm4b:s9+s6], $0x4000, $0x38;
	[tilespmem:$0x18C80] =	vst v63  }
0x33: {  	_ = 	snop  }
0x34: {  	[tilespmem:s25], [sflag:$0x1] =	stream.indirect.gather [hbm4b:s3+s24], $0x80, s6, s24, $0xb8;
	[tilespmem:$0x18C80] =	vst v63  }
0x35: {  	s18 =	rddreg [dreg:$0x8]  }
0x36: {  	[tilespmem:s26], [sflag:$0x2] =	stream.linear.gather [hbm4b:s18+s6], $0x4000, $0x38;
	[tilespmem:$0x18C80] =	vst v63  }
0x37: {  	_ = 	snop  }
0x38: {  	[tilespmem:s28], [sflag:$0x2] =	stream.indirect.gather [hbm4b:s3+s24], $0x80, s24, s24, $0xb8;
	[tilespmem:$0x18C80] =	vst v63  }
0x39: {  	_ =	swait.ge [sflag:s29], $0x4000  }
0x3a: {  	[sflag:s29] =	ssyncset.done $0x0  }
0x3b: {  	p4 =	por @p0 $0x0, $0x0;
	p3 =	por @!p1 $0x1, $0x1;
	[sflag:s29] =	ssyncadd.s32 $0xFFFFC000  }
0x3c: {  	p3 =	por @!p2 p4, p4;
	p4 =	por @!p0 $0x0, $0x0;
	_ =	swait.ge [sflag:s29], $0x4000  }
0x3d: {  	p3 =	por @!p0 p4, p4;
	[sflag:s29] =	ssyncset.done $0x0  }
0x3e: {  	s11 =	simm.s32 $0x200;
	s10 =	simm.s32 $0x0;
	[sflag:s29] =	ssyncadd.s32 $0xFFFFC000  }
.LBB2_2:
0x3f: {  	p4 =	sne.s32 s11, $0xFE00;
	v0 =	vld [tilespmem:s10+$0xCCF0]  }
0x40: {  	v1 =	vld [tilespmem:s10+$0xCC80]  }
0x41: {  	v2 =	vld [tilespmem:s10+$0xCC90]  }
0x42: {  	v3 =	vld [tilespmem:s10+$0xCCA0]  }
0x43: {  	v4 =	vld [tilespmem:s10+$0xCCB0]  }
0x44: {  	[tilespmem:s10+$0xCF0] =	vst.add.f32.msk $0xffff, v0  }
0x45: {  	v0 =	vld [tilespmem:s10+$0xCCC0]  }
0x46: {  	v5 =	vld [tilespmem:s10+$0xCCD0]  }
0x47: {  	v6 =	vld [tilespmem:s10+$0xCCE0]  }
0x48: {  	[tilespmem:s10+$0xC80] =	vst.add.f32.msk $0xffff, v1  }
0x49: {  	[tilespmem:s10+$0xC90] =	vst.add.f32.msk $0xffff, v2  }
.Ltmp2:
0x4a: {  	[tilespmem:s10+$0xCA0] =	vst.add.f32.msk $0xffff, v3;
	(pc) =	sbr.rel @p4 .LBB2_2-.Ltmp2, $4  }
0x4b: {  	[tilespmem:s10+$0xCB0] =	vst.add.f32.msk $0xffff, v4  }
0x4c: {  	[tilespmem:s10+$0xCC0] =	vst.add.f32.msk $0xffff, v0  }
0x4d: {  	[tilespmem:s10+$0xCD0] =	vst.add.f32.msk $0xffff, v5  }
0x4e: {  	[tilespmem:s10+$0xCE0] =	vst.add.f32.msk $0xffff, v6;
	s10 =	sshra.s32 s11, $0x2;
	s11 =	sadd.s32 $0x200, s11  }
0x4f: {  	v0 =	vld [tilespmem:s10+$0xCCF0]  }
0x50: {  	v1 =	vld [tilespmem:s10+$0xCC80]  }
0x51: {  	v2 =	vld [tilespmem:s10+$0xCC90]  }
0x52: {  	v3 =	vld [tilespmem:s10+$0xCCA0]  }
0x53: {  	v4 =	vld [tilespmem:s10+$0xCCB0]  }
0x54: {  	v63 =	vld [tilespmem:s10+$0xCCC0]  }
0x55: {  	v5 =	vld [tilespmem:s10+$0xCCD0]  }
0x56: {  	v6 =	vld [tilespmem:s10+$0xCCE0]  }
0x57: {  	[tilespmem:s10+$0xCF0] =	vst.add.f32.msk $0xffff, v0  }
0x58: {  	[tilespmem:s10+$0xC80] =	vst.add.f32.msk $0xffff, v1  }
0x59: {  	[tilespmem:s10+$0xC90] =	vst.add.f32.msk $0xffff, v2  }
0x5a: {  	[tilespmem:s10+$0xCA0] =	vst.add.f32.msk $0xffff, v3  }
0x5b: {  	[tilespmem:s10+$0xCB0] =	vst.add.f32.msk $0xffff, v4  }
0x5c: {  	[tilespmem:s10+$0xCC0] =	vst.add.f32.msk $0xffff, v63  }
0x5d: {  	[tilespmem:s10+$0xCD0] =	vst.add.f32.msk $0xffff, v5  }
0x5e: {  	[tilespmem:s10+$0xCE0] =	vst.add.f32.msk $0xffff, v6;
	s10 =	simm.s32 $0x0  }
0x5f: {  	[hbm4b:s12+s10] =	stream.linear.scatter [tilespmem:s23], [sflag:$0x4], $0x4000, $0x38;
	[tilespmem:$0x18C80] =	vst v63  }
0x60: {  	s11 =	rddreg [dreg:$0x9]  }
0x61: {  	[tilespmem:s30], [sflag:$0x3] =	stream.linear.gather [hbm4b:s11+s10], $0x4000, $0x38;
	[tilespmem:$0x18C80] =	vst v63  }
0x62: {  	s18 =	simm.s32 $0x100  }
0x63: {  	[tilespmem:s2], [sflag:$0x3] =	stream.indirect.gather [hbm4b:s3+s24], $0x80, s18, s24, $0xb8;
	[tilespmem:$0x18C80] =	vst v63  }
.LBB2_4:
0x64: {  	_ =	swait.ge [sflag:s0], $0x4000  }
0x65: {  	[sflag:s0] =	ssyncset.done $0x0  }
0x66: {  	[sflag:s0] =	ssyncadd.s32 $0xFFFFC000  }
0x67: {  	_ =	swait.ge [sflag:s0], $0x4000  }
0x68: {  	[sflag:s0] =	ssyncset.done $0x0  }
0x69: {  	s13 =	simm.s32 $0x0;
	s11 =	simm.s32 $0x200;
	[sflag:s0] =	ssyncadd.s32 $0xFFFFC000  }
.LBB2_5:
0x6a: {  	p4 =	sne.s32 s11, $0xFE00;
	v0 =	vld [tilespmem:s13+$0x10CF0]  }
0x6b: {  	v1 =	vld [tilespmem:s13+$0x10C80]  }
0x6c: {  	v2 =	vld [tilespmem:s13+$0x10C90]  }
0x6d: {  	v3 =	vld [tilespmem:s13+$0x10CA0]  }
0x6e: {  	v4 =	vld [tilespmem:s13+$0x10CB0]  }
0x6f: {  	[tilespmem:s13+$0x4CF0] =	vst.add.f32.msk $0xffff, v0  }
0x70: {  	v0 =	vld [tilespmem:s13+$0x10CC0]  }
0x71: {  	v5 =	vld [tilespmem:s13+$0x10CD0]  }
0x72: {  	v6 =	vld [tilespmem:s13+$0x10CE0]  }
0x73: {  	[tilespmem:s13+$0x4C80] =	vst.add.f32.msk $0xffff, v1  }
0x74: {  	[tilespmem:s13+$0x4C90] =	vst.add.f32.msk $0xffff, v2  }
.Ltmp3:
0x75: {  	[tilespmem:s13+$0x4CA0] =	vst.add.f32.msk $0xffff, v3;
	(pc) =	sbr.rel @p4 .LBB2_5-.Ltmp3, $4  }
0x76: {  	[tilespmem:s13+$0x4CB0] =	vst.add.f32.msk $0xffff, v4  }
0x77: {  	[tilespmem:s13+$0x4CC0] =	vst.add.f32.msk $0xffff, v0  }
0x78: {  	[tilespmem:s13+$0x4CD0] =	vst.add.f32.msk $0xffff, v5  }
0x79: {  	[tilespmem:s13+$0x4CE0] =	vst.add.f32.msk $0xffff, v6;
	s13 =	sshra.s32 s11, $0x2;
	s11 =	sadd.s32 $0x200, s11  }
0x7a: {  	v0 =	vld [tilespmem:s13+$0x10CF0]  }
0x7b: {  	v1 =	vld [tilespmem:s13+$0x10C80]  }
0x7c: {  	v2 =	vld [tilespmem:s13+$0x10C90]  }
0x7d: {  	v3 =	vld [tilespmem:s13+$0x10CA0]  }
0x7e: {  	v4 =	vld [tilespmem:s13+$0x10CB0]  }
0x7f: {  	v63 =	vld [tilespmem:s13+$0x10CC0]  }
0x80: {  	v5 =	vld [tilespmem:s13+$0x10CD0]  }
0x81: {  	v6 =	vld [tilespmem:s13+$0x10CE0]  }
0x82: {  	[tilespmem:s13+$0x4CF0] =	vst.add.f32.msk $0xffff, v0  }
0x83: {  	[tilespmem:s13+$0x4C80] =	vst.add.f32.msk $0xffff, v1  }
0x84: {  	s11 =	smul.u32 $0x3, s10;
	[tilespmem:s13+$0x4C90] =	vst.add.f32.msk $0xffff, v2  }
0x85: {  	[tilespmem:s13+$0x4CA0] =	vst.add.f32.msk $0xffff, v3  }
0x86: {  	s16 =	sadd.s32 s11, s14;
	[tilespmem:s13+$0x4CB0] =	vst.add.f32.msk $0xffff, v4  }
0x87: {  	s16 =	sshll.u32 s16, $0xB;
	[tilespmem:s13+$0x4CC0] =	vst.add.f32.msk $0xffff, v63  }
0x88: {  	s16 =	sand.u32 $0x1FFFF800, s16;
	[tilespmem:s13+$0x4CD0] =	vst.add.f32.msk $0xffff, v5  }
0x89: {  	[tilespmem:s13+$0x4CE0] =	vst.add.f32.msk $0xffff, v6;
	s17 =	sadd.s32 s4, s16;
	s16 =	simm.s32 $0x0  }
0x8a: {  	[hbm4b:s17+s16] =	stream.linear.scatter [tilespmem:s26], [sflag:$0x5], $0x4000, $0x38;
	[tilespmem:$0x18C80] =	vst v63  }
0x8b: {  	s17 =	sadd.s32 $0x3, s11  }
0x8c: {  	s18 =	sadd.s32 s5, s17  }
0x8d: {  	_ =	swait.ge [sflag:s31], $0x4000;
	s13 =	sshll.u32 s18, $0xB  }
0x8e: {  	[sflag:s31] =	ssyncset.done $0x0;
	s13 =	sand.u32 $0x1FFFF800, s13  }
0x8f: {  	[sflag:s31] =	ssyncadd.s32 $0xFFFFC000;
	s18 =	sadd.s32 s1, s13  }
0x90: {  	[tilespmem:s23], [sflag:$0x1] =	stream.linear.gather [hbm4b:s18+s16], $0x4000, $0x38;
	[tilespmem:$0x18C80] =	vst v63  }
0x91: {  	s18 =	sshll.u32 s17, $0x7  }
0x92: {  	s16 =	sand.u32 $0x3FFFFF80, s18  }
0x93: {  	[tilespmem:s25], [sflag:$0x1] =	stream.indirect.gather [hbm4b:s3+s24], $0x80, s16, s24, $0xb8;
	[tilespmem:$0x18C80] =	vst v63  }
0x94: {  	_ =	swait.ge [sflag:s19], $0x4000  }
0x95: {  	[sflag:s19] =	ssyncset.done $0x0  }
0x96: {  	[sflag:s19] =	ssyncadd.s32 $0xFFFFC000  }
0x97: {  	_ =	swait.ge [sflag:s19], $0x4000  }
0x98: {  	[sflag:s19] =	ssyncset.done $0x0  }
0x99: {  	s17 =	simm.s32 $0x200;
	s16 =	simm.s32 $0x0;
	[sflag:s19] =	ssyncadd.s32 $0xFFFFC000  }
.LBB2_7:
0x9a: {  	p4 =	sne.s32 s17, $0xFE00;
	v0 =	vld [tilespmem:s16+$0x14CF0]  }
0x9b: {  	v1 =	vld [tilespmem:s16+$0x14C80]  }
0x9c: {  	v2 =	vld [tilespmem:s16+$0x14C90]  }
0x9d: {  	v3 =	vld [tilespmem:s16+$0x14CA0]  }
0x9e: {  	v4 =	vld [tilespmem:s16+$0x14CB0]  }
0x9f: {  	[tilespmem:s16+$0x8CF0] =	vst.add.f32.msk $0xffff, v0  }
0xa0: {  	v0 =	vld [tilespmem:s16+$0x14CC0]  }
0xa1: {  	v5 =	vld [tilespmem:s16+$0x14CD0]  }
0xa2: {  	v6 =	vld [tilespmem:s16+$0x14CE0]  }
0xa3: {  	[tilespmem:s16+$0x8C80] =	vst.add.f32.msk $0xffff, v1  }
0xa4: {  	[tilespmem:s16+$0x8C90] =	vst.add.f32.msk $0xffff, v2  }
.Ltmp4:
0xa5: {  	[tilespmem:s16+$0x8CA0] =	vst.add.f32.msk $0xffff, v3;
	(pc) =	sbr.rel @p4 .LBB2_7-.Ltmp4, $4  }
0xa6: {  	[tilespmem:s16+$0x8CB0] =	vst.add.f32.msk $0xffff, v4  }
0xa7: {  	[tilespmem:s16+$0x8CC0] =	vst.add.f32.msk $0xffff, v0  }
0xa8: {  	[tilespmem:s16+$0x8CD0] =	vst.add.f32.msk $0xffff, v5  }
0xa9: {  	[tilespmem:s16+$0x8CE0] =	vst.add.f32.msk $0xffff, v6;
	s16 =	sshra.s32 s17, $0x2;
	s17 =	sadd.s32 $0x200, s17  }
0xaa: {  	v0 =	vld [tilespmem:s16+$0x14CF0]  }
0xab: {  	v1 =	vld [tilespmem:s16+$0x14C80]  }
0xac: {  	v2 =	vld [tilespmem:s16+$0x14C90]  }
0xad: {  	v3 =	vld [tilespmem:s16+$0x14CA0]  }
0xae: {  	v4 =	vld [tilespmem:s16+$0x14CB0]  }
0xaf: {  	v63 =	vld [tilespmem:s16+$0x14CC0]  }
0xb0: {  	v5 =	vld [tilespmem:s16+$0x14CD0]  }
0xb1: {  	v6 =	vld [tilespmem:s16+$0x14CE0]  }
0xb2: {  	[tilespmem:s16+$0x8CF0] =	vst.add.f32.msk $0xffff, v0  }
0xb3: {  	[tilespmem:s16+$0x8C80] =	vst.add.f32.msk $0xffff, v1  }
0xb4: {  	[tilespmem:s16+$0x8C90] =	vst.add.f32.msk $0xffff, v2  }
0xb5: {  	[tilespmem:s16+$0x8CA0] =	vst.add.f32.msk $0xffff, v3  }
0xb6: {  	s17 =	sadd.s32 s11, s15;
	[tilespmem:s16+$0x8CB0] =	vst.add.f32.msk $0xffff, v4  }
0xb7: {  	s17 =	sshll.u32 s17, $0xB;
	[tilespmem:s16+$0x8CC0] =	vst.add.f32.msk $0xffff, v63  }
0xb8: {  	s17 =	sand.u32 $0x1FFFF800, s17;
	[tilespmem:s16+$0x8CD0] =	vst.add.f32.msk $0xffff, v5  }
0xb9: {  	s18 =	sadd.s32 s4, s17;
	s17 =	simm.s32 $0x0;
	[tilespmem:s16+$0x8CE0] =	vst.add.f32.msk $0xffff, v6;
	s16 =	sadd.s32 $0x4, s11  }
0xba: {  	[hbm4b:s18+s17] =	stream.linear.scatter [tilespmem:s30], [sflag:$0x6], $0x4000, $0x38;
	[tilespmem:$0x18C80] =	vst v63  }
0xbb: {  	s18 =	sadd.s32 s5, s16  }
0xbc: {  	_ =	swait.ge [sflag:s20], $0x4000;
	s18 =	sshll.u32 s18, $0xB  }
0xbd: {  	[sflag:s20] =	ssyncset.done $0x0;
	s18 =	sand.u32 $0x1FFFF800, s18  }
0xbe: {  	s16 =	sshll.u32 s16, $0x7;
	[sflag:s20] =	ssyncadd.s32 $0xFFFFC000;
	s18 =	sadd.s32 s1, s18  }
0xbf: {  	[tilespmem:s26], [sflag:$0x2] =	stream.linear.gather [hbm4b:s18+s17], $0x4000, $0x38;
	[tilespmem:$0x18C80] =	vst v63  }
0xc0: {  	s16 =	sand.u32 $0x3FFFFF80, s16  }
0xc1: {  	[tilespmem:s28], [sflag:$0x2] =	stream.indirect.gather [hbm4b:s3+s24], $0x80, s16, s24, $0xb8;
	[tilespmem:$0x18C80] =	vst v63  }
0xc2: {  	_ =	swait.ge [sflag:s29], $0x4000  }
0xc3: {  	[sflag:s29] =	ssyncset.done $0x0  }
0xc4: {  	[sflag:s29] =	ssyncadd.s32 $0xFFFFC000  }
0xc5: {  	_ =	swait.ge [sflag:s29], $0x4000  }
0xc6: {  	[sflag:s29] =	ssyncset.done $0x0  }
0xc7: {  	s17 =	simm.s32 $0x200;
	s16 =	simm.s32 $0x0;
	[sflag:s29] =	ssyncadd.s32 $0xFFFFC000  }
.LBB2_9:
0xc8: {  	p4 =	sne.s32 s17, $0xFE00;
	v0 =	vld [tilespmem:s16+$0xCCF0]  }
0xc9: {  	v1 =	vld [tilespmem:s16+$0xCC80]  }
0xca: {  	v2 =	vld [tilespmem:s16+$0xCC90]  }
0xcb: {  	v3 =	vld [tilespmem:s16+$0xCCA0]  }
0xcc: {  	v4 =	vld [tilespmem:s16+$0xCCB0]  }
0xcd: {  	[tilespmem:s16+$0xCF0] =	vst.add.f32.msk $0xffff, v0  }
0xce: {  	v0 =	vld [tilespmem:s16+$0xCCC0]  }
0xcf: {  	v5 =	vld [tilespmem:s16+$0xCCD0]  }
0xd0: {  	v6 =	vld [tilespmem:s16+$0xCCE0]  }
0xd1: {  	[tilespmem:s16+$0xC80] =	vst.add.f32.msk $0xffff, v1  }
0xd2: {  	[tilespmem:s16+$0xC90] =	vst.add.f32.msk $0xffff, v2  }
.Ltmp5:
0xd3: {  	[tilespmem:s16+$0xCA0] =	vst.add.f32.msk $0xffff, v3;
	(pc) =	sbr.rel @p4 .LBB2_9-.Ltmp5, $4  }
0xd4: {  	[tilespmem:s16+$0xCB0] =	vst.add.f32.msk $0xffff, v4  }
0xd5: {  	[tilespmem:s16+$0xCC0] =	vst.add.f32.msk $0xffff, v0  }
0xd6: {  	[tilespmem:s16+$0xCD0] =	vst.add.f32.msk $0xffff, v5  }
0xd7: {  	[tilespmem:s16+$0xCE0] =	vst.add.f32.msk $0xffff, v6;
	s16 =	sshra.s32 s17, $0x2;
	s17 =	sadd.s32 $0x200, s17  }
0xd8: {  	v0 =	vld [tilespmem:s16+$0xCCF0]  }
0xd9: {  	v1 =	vld [tilespmem:s16+$0xCC80]  }
0xda: {  	v2 =	vld [tilespmem:s16+$0xCC90]  }
0xdb: {  	v3 =	vld [tilespmem:s16+$0xCCA0]  }
0xdc: {  	v4 =	vld [tilespmem:s16+$0xCCB0]  }
0xdd: {  	v63 =	vld [tilespmem:s16+$0xCCC0]  }
0xde: {  	v5 =	vld [tilespmem:s16+$0xCCD0]  }
0xdf: {  	v6 =	vld [tilespmem:s16+$0xCCE0]  }
0xe0: {  	[tilespmem:s16+$0xCF0] =	vst.add.f32.msk $0xffff, v0  }
0xe1: {  	[tilespmem:s16+$0xC80] =	vst.add.f32.msk $0xffff, v1  }
0xe2: {  	[tilespmem:s16+$0xC90] =	vst.add.f32.msk $0xffff, v2  }
0xe3: {  	[tilespmem:s16+$0xCA0] =	vst.add.f32.msk $0xffff, v3  }
0xe4: {  	[tilespmem:s16+$0xCB0] =	vst.add.f32.msk $0xffff, v4  }
0xe5: {  	[tilespmem:s16+$0xCC0] =	vst.add.f32.msk $0xffff, v63  }
0xe6: {  	s11 =	sadd.s32 $0x5, s11;
	[tilespmem:s16+$0xCD0] =	vst.add.f32.msk $0xffff, v5  }
0xe7: {  	s13 =	sadd.s32 s4, s13;
	s10 =	sadd.s32 $0x1, s10;
	s18 =	sadd.s32 s5, s11;
	[tilespmem:s16+$0xCE0] =	vst.add.f32.msk $0xffff, v6  }
0xe8: {  	[hbm4b:s13+s6] =	stream.linear.scatter [tilespmem:s23], [sflag:$0x4], $0x4000, $0x38;
	[tilespmem:$0x18C80] =	vst v63  }
0xe9: {  	p4 =	sne.s32 s10, $0x7;
	s13 =	sshll.u32 s18, $0xB;
	_ =	swait.ge [sflag:s21], $0x4000  }
.Ltmp6:
0xea: {  	s13 =	sand.u32 $0x1FFFF800, s13;
	[sflag:s21] =	ssyncset.done $0x0;
	(pc) =	sbr.rel @p4 .LBB2_4-.Ltmp6, $4  }
0xeb: {  	s11 =	sshll.u32 s11, $0x7;
	s13 =	sadd.s32 s1, s13;
	[sflag:s21] =	ssyncadd.s32 $0xFFFFC000  }
0xec: {  	[tilespmem:s30], [sflag:$0x3] =	stream.linear.gather [hbm4b:s13+s6], $0x4000, $0x38;
	[tilespmem:$0x18C80] =	vst v63  }
0xed: {  	s11 =	sand.u32 $0x3FFFFF80, s11  }
0xee: {  	[tilespmem:s2], [sflag:$0x3] =	stream.indirect.gather [hbm4b:s3+s24], $0x80, s11, s24, $0xb8;
	[tilespmem:$0x18C80] =	vst v63  }
0xef: {  	_ =	swait.ge [sflag:s0], $0x4000  }
0xf0: {  	[sflag:s0] =	ssyncset.done $0x0  }
0xf1: {  	[sflag:s0] =	ssyncadd.s32 $0xFFFFC000  }
0xf2: {  	_ =	swait.ge [sflag:s0], $0x4000  }
0xf3: {  	[sflag:s0] =	ssyncset.done $0x0  }
0xf4: {  	s10 =	simm.s32 $0x0;
	s11 =	simm.s32 $0x200;
	[sflag:s0] =	ssyncadd.s32 $0xFFFFC000  }
.LBB2_12:
0xf5: {  	p4 =	sne.s32 s11, $0xFE00;
	v0 =	vld [tilespmem:s10+$0x10CF0]  }
0xf6: {  	v1 =	vld [tilespmem:s10+$0x10C80]  }
0xf7: {  	v2 =	vld [tilespmem:s10+$0x10C90]  }
0xf8: {  	v3 =	vld [tilespmem:s10+$0x10CA0]  }
0xf9: {  	v4 =	vld [tilespmem:s10+$0x10CB0]  }
0xfa: {  	[tilespmem:s10+$0x4CF0] =	vst.add.f32.msk $0xffff, v0  }
0xfb: {  	v0 =	vld [tilespmem:s10+$0x10CC0]  }
0xfc: {  	v5 =	vld [tilespmem:s10+$0x10CD0]  }
0xfd: {  	v6 =	vld [tilespmem:s10+$0x10CE0]  }
0xfe: {  	[tilespmem:s10+$0x4C80] =	vst.add.f32.msk $0xffff, v1  }
0xff: {  	[tilespmem:s10+$0x4C90] =	vst.add.f32.msk $0xffff, v2  }
.Ltmp7:
0x100: {  	[tilespmem:s10+$0x4CA0] =	vst.add.f32.msk $0xffff, v3;
	(pc) =	sbr.rel @p4 .LBB2_12-.Ltmp7, $4  }
0x101: {  	[tilespmem:s10+$0x4CB0] =	vst.add.f32.msk $0xffff, v4  }
0x102: {  	[tilespmem:s10+$0x4CC0] =	vst.add.f32.msk $0xffff, v0  }
0x103: {  	[tilespmem:s10+$0x4CD0] =	vst.add.f32.msk $0xffff, v5  }
0x104: {  	[tilespmem:s10+$0x4CE0] =	vst.add.f32.msk $0xffff, v6;
	s10 =	sshra.s32 s11, $0x2;
	s11 =	sadd.s32 $0x200, s11  }
0x105: {  	v0 =	vld [tilespmem:s10+$0x10CF0]  }
0x106: {  	v1 =	vld [tilespmem:s10+$0x10C80]  }
0x107: {  	v2 =	vld [tilespmem:s10+$0x10C90]  }
0x108: {  	v3 =	vld [tilespmem:s10+$0x10CA0]  }
0x109: {  	v4 =	vld [tilespmem:s10+$0x10CB0]  }
0x10a: {  	v63 =	vld [tilespmem:s10+$0x10CC0]  }
0x10b: {  	v5 =	vld [tilespmem:s10+$0x10CD0]  }
0x10c: {  	v6 =	vld [tilespmem:s10+$0x10CE0]  }
0x10d: {  	[tilespmem:s10+$0x4CF0] =	vst.add.f32.msk $0xffff, v0  }
0x10e: {  	[tilespmem:s10+$0x4C80] =	vst.add.f32.msk $0xffff, v1  }
0x10f: {  	[tilespmem:s10+$0x4C90] =	vst.add.f32.msk $0xffff, v2  }
0x110: {  	[tilespmem:s10+$0x4CA0] =	vst.add.f32.msk $0xffff, v3  }
0x111: {  	[tilespmem:s10+$0x4CB0] =	vst.add.f32.msk $0xffff, v4  }
0x112: {  	[tilespmem:s10+$0x4CC0] =	vst.add.f32.msk $0xffff, v63  }
0x113: {  	[tilespmem:s10+$0x4CD0] =	vst.add.f32.msk $0xffff, v5  }
0x114: {  	s18 =	rddreg [dreg:$0xa];
	[tilespmem:s10+$0x4CE0] =	vst.add.f32.msk $0xffff, v6  }
0x115: {  	[hbm4b:s18+s6] =	stream.linear.scatter [tilespmem:s26], [sflag:$0x5], $0x4000, $0x38;
	[tilespmem:$0x18C80] =	vst v63  }
0x116: {  	_ =	swait.ge [sflag:s31], $0x4000  }
0x117: {  	s11 =	simm.s32 @!p0 $0xC80;
	[sflag:s31] =	ssyncset.done $0x0  }
0x118: {  	s10 =	simm.s32 @!p0 $0x0;
	s13 =	rddreg [dreg:$0xb];
	[sflag:s31] =	ssyncadd.s32 $0xFFFFC000  }
0x119: {  	[tilespmem:s11], [sflag:$0x1] =	stream.linear.gather @!p0 [hbm4b:s13+s10], $0x4000, $0x38;
	[tilespmem:$0x18C80] =	vst v63  }
0x11a: {  	s10 =	simm.s32 @!p0 $0x80;
	s11 =	simm.s32 @!p0 $0xC00;
	s13 =	simm.s32 @!p0 $0xCC80  }
0x11b: {  	[tilespmem:s13], [sflag:$0x1] =	stream.indirect.gather @!p0 [hbm4b:s3+s10], $0x80, s11, s10, $0xb8;
	[tilespmem:$0x18C80] =	vst v63  }
0x11c: {  	_ =	swait.ge [sflag:s19], $0x4000  }
0x11d: {  	[sflag:s19] =	ssyncset.done $0x0  }
0x11e: {  	[sflag:s19] =	ssyncadd.s32 $0xFFFFC000  }
0x11f: {  	_ =	swait.ge [sflag:s19], $0x4000  }
0x120: {  	[sflag:s19] =	ssyncset.done $0x0  }
0x121: {  	s10 =	simm.s32 $0x0;
	s11 =	simm.s32 $0x200;
	[sflag:s19] =	ssyncadd.s32 $0xFFFFC000  }
.LBB2_14:
0x122: {  	p4 =	sne.s32 s11, $0xFE00;
	v0 =	vld [tilespmem:s10+$0x14CF0]  }
0x123: {  	v1 =	vld [tilespmem:s10+$0x14C80]  }
0x124: {  	v2 =	vld [tilespmem:s10+$0x14C90]  }
0x125: {  	v3 =	vld [tilespmem:s10+$0x14CA0]  }
0x126: {  	v4 =	vld [tilespmem:s10+$0x14CB0]  }
0x127: {  	[tilespmem:s10+$0x8CF0] =	vst.add.f32.msk $0xffff, v0  }
0x128: {  	v0 =	vld [tilespmem:s10+$0x14CC0]  }
0x129: {  	v5 =	vld [tilespmem:s10+$0x14CD0]  }
0x12a: {  	v6 =	vld [tilespmem:s10+$0x14CE0]  }
0x12b: {  	[tilespmem:s10+$0x8C80] =	vst.add.f32.msk $0xffff, v1  }
0x12c: {  	[tilespmem:s10+$0x8C90] =	vst.add.f32.msk $0xffff, v2  }
.Ltmp8:
0x12d: {  	[tilespmem:s10+$0x8CA0] =	vst.add.f32.msk $0xffff, v3;
	(pc) =	sbr.rel @p4 .LBB2_14-.Ltmp8, $4  }
0x12e: {  	[tilespmem:s10+$0x8CB0] =	vst.add.f32.msk $0xffff, v4  }
0x12f: {  	[tilespmem:s10+$0x8CC0] =	vst.add.f32.msk $0xffff, v0  }
0x130: {  	[tilespmem:s10+$0x8CD0] =	vst.add.f32.msk $0xffff, v5  }
0x131: {  	[tilespmem:s10+$0x8CE0] =	vst.add.f32.msk $0xffff, v6;
	s10 =	sshra.s32 s11, $0x2;
	s11 =	sadd.s32 $0x200, s11  }
0x132: {  	v0 =	vld [tilespmem:s10+$0x14CF0]  }
0x133: {  	v1 =	vld [tilespmem:s10+$0x14C80]  }
0x134: {  	v2 =	vld [tilespmem:s10+$0x14C90]  }
0x135: {  	v3 =	vld [tilespmem:s10+$0x14CA0]  }
0x136: {  	v4 =	vld [tilespmem:s10+$0x14CB0]  }
0x137: {  	v63 =	vld [tilespmem:s10+$0x14CC0]  }
0x138: {  	v5 =	vld [tilespmem:s10+$0x14CD0]  }
0x139: {  	v6 =	vld [tilespmem:s10+$0x14CE0]  }
0x13a: {  	[tilespmem:s10+$0x8CF0] =	vst.add.f32.msk $0xffff, v0  }
0x13b: {  	[tilespmem:s10+$0x8C80] =	vst.add.f32.msk $0xffff, v1  }
0x13c: {  	[tilespmem:s10+$0x8C90] =	vst.add.f32.msk $0xffff, v2  }
0x13d: {  	[tilespmem:s10+$0x8CA0] =	vst.add.f32.msk $0xffff, v3  }
.Ltmp9:
0x13e: {  	[tilespmem:s10+$0x8CB0] =	vst.add.f32.msk $0xffff, v4;
	(pc) =	sbr.rel @p0 .LBB2_19-.Ltmp9, $4  }
0x13f: {  	[tilespmem:s10+$0x8CC0] =	vst.add.f32.msk $0xffff, v63  }
0x140: {  	[tilespmem:s10+$0x8CD0] =	vst.add.f32.msk $0xffff, v5  }
0x141: {  	s18 =	rddreg [dreg:$0xc];
	[tilespmem:s10+$0x8CE0] =	vst.add.f32.msk $0xffff, v6  }
0x142: {  	[hbm4b:s18+s6] =	stream.linear.scatter [tilespmem:s30], [sflag:$0x6], $0x4000, $0x38;
	[tilespmem:$0x18C80] =	vst v63  }
0x143: {  	_ =	swait.ge [sflag:s29], $0x4000  }
0x144: {  	[sflag:s29] =	ssyncset.done $0x0  }
0x145: {  	[sflag:s29] =	ssyncadd.s32 $0xFFFFC000  }
0x146: {  	_ =	swait.ge [sflag:s29], $0x4000  }
0x147: {  	[sflag:s29] =	ssyncset.done $0x0  }
0x148: {  	s10 =	simm.s32 $0x0;
	s11 =	simm.s32 $0x200;
	[sflag:s29] =	ssyncadd.s32 $0xFFFFC000  }
.LBB2_17:
0x149: {  	p4 =	sne.s32 s11, $0xFE00;
	v0 =	vld [tilespmem:s10+$0xCCF0]  }
0x14a: {  	v1 =	vld [tilespmem:s10+$0xCC80]  }
0x14b: {  	v2 =	vld [tilespmem:s10+$0xCC90]  }
0x14c: {  	v3 =	vld [tilespmem:s10+$0xCCA0]  }
0x14d: {  	v4 =	vld [tilespmem:s10+$0xCCB0]  }
0x14e: {  	[tilespmem:s10+$0xCF0] =	vst.add.f32.msk $0xffff, v0  }
0x14f: {  	v0 =	vld [tilespmem:s10+$0xCCC0]  }
0x150: {  	v5 =	vld [tilespmem:s10+$0xCCD0]  }
0x151: {  	v6 =	vld [tilespmem:s10+$0xCCE0]  }
0x152: {  	[tilespmem:s10+$0xC80] =	vst.add.f32.msk $0xffff, v1  }
0x153: {  	[tilespmem:s10+$0xC90] =	vst.add.f32.msk $0xffff, v2  }
.Ltmp10:
0x154: {  	[tilespmem:s10+$0xCA0] =	vst.add.f32.msk $0xffff, v3;
	(pc) =	sbr.rel @p4 .LBB2_17-.Ltmp10, $4  }
0x155: {  	[tilespmem:s10+$0xCB0] =	vst.add.f32.msk $0xffff, v4  }
0x156: {  	[tilespmem:s10+$0xCC0] =	vst.add.f32.msk $0xffff, v0  }
0x157: {  	[tilespmem:s10+$0xCD0] =	vst.add.f32.msk $0xffff, v5  }
0x158: {  	[tilespmem:s10+$0xCE0] =	vst.add.f32.msk $0xffff, v6;
	s10 =	sshra.s32 s11, $0x2;
	s11 =	sadd.s32 $0x200, s11  }
0x159: {  	v0 =	vld [tilespmem:s10+$0xCCF0]  }
0x15a: {  	v1 =	vld [tilespmem:s10+$0xCC80]  }
0x15b: {  	v2 =	vld [tilespmem:s10+$0xCC90]  }
0x15c: {  	v3 =	vld [tilespmem:s10+$0xCCA0]  }
0x15d: {  	v4 =	vld [tilespmem:s10+$0xCCB0]  }
0x15e: {  	v63 =	vld [tilespmem:s10+$0xCCC0]  }
0x15f: {  	v5 =	vld [tilespmem:s10+$0xCCD0]  }
0x160: {  	v6 =	vld [tilespmem:s10+$0xCCE0]  }
0x161: {  	[tilespmem:s10+$0xCF0] =	vst.add.f32.msk $0xffff, v0  }
0x162: {  	[tilespmem:s10+$0xC80] =	vst.add.f32.msk $0xffff, v1  }
0x163: {  	[tilespmem:s10+$0xC90] =	vst.add.f32.msk $0xffff, v2  }
0x164: {  	[tilespmem:s10+$0xCA0] =	vst.add.f32.msk $0xffff, v3  }
0x165: {  	[tilespmem:s10+$0xCB0] =	vst.add.f32.msk $0xffff, v4  }
0x166: {  	[tilespmem:s10+$0xCC0] =	vst.add.f32.msk $0xffff, v63  }
0x167: {  	[tilespmem:s10+$0xCD0] =	vst.add.f32.msk $0xffff, v5  }
0x168: {  	s18 =	rddreg [dreg:$0xd];
	[tilespmem:s10+$0xCE0] =	vst.add.f32.msk $0xffff, v6  }
0x169: {  	[hbm4b:s18+s6] =	stream.linear.scatter [tilespmem:s23], [sflag:$0x4], $0x4000, $0x38;
	[tilespmem:$0x18C80] =	vst v63  }
0x16a: {  	_ =	swait.ge [sflag:s31], $0x4000  }
0x16b: {  	[sflag:s31] =	ssyncset.done $0x0  }
0x16c: {  	[sflag:s31] =	ssyncadd.s32 $0xFFFFC000  }
.LBB2_19:
.Ltmp11:
0x16d: {  	(pc) =	sbr.rel @!p3 .LBB2_23-.Ltmp11, $1  }
0x16e: {  	_ =	sdelay $0x3  }
0x16f: {  	s10 =	simm.s32 $0x0;
	s11 =	rddreg [dreg:$0xe]  }
0x170: {  	[tilespmem:s23], [sflag:$0x7] =	stream.linear.gather [hbm4b:s11+s10], $0x1000, $0x38;
	[tilespmem:$0x18C80] =	vst v63  }
0x171: {  	_ =	swait.ge [sflag:s7], $0x1000  }
0x172: {  	[sflag:s7] =	ssyncset.done $0x0  }
0x173: {  	s17 =	simm.s32 $0x20;
	s18 =	simm.s32 $0xC00;
	[sflag:s7] =	ssyncadd.s32 $0xFFFFF000  }
0x174: {  	[tilespmem:s25], [sflag:$0x1] =	stream.indirect.gather [hbm4b:s3+s17], $0x80, s18, s17, $0xb8;
	[tilespmem:$0x18C80] =	vst v63  }
0x175: {  	_ =	swait.ge [sflag:s29], $0x1000  }
0x176: {  	[sflag:s29] =	ssyncset.done $0x0  }
0x177: {  	s10 =	simm.s32 $0x0;
	s11 =	simm.s32 $0x200;
	[sflag:s29] =	ssyncadd.s32 $0xFFFFF000  }
.LBB2_21:
0x178: {  	p3 =	sne.s32 s11, $0x3E00;
	v0 =	vld [tilespmem:s10+$0xCCF0]  }
0x179: {  	v1 =	vld [tilespmem:s10+$0xCC80]  }
0x17a: {  	v2 =	vld [tilespmem:s10+$0xCC90]  }
0x17b: {  	v3 =	vld [tilespmem:s10+$0xCCA0]  }
0x17c: {  	v4 =	vld [tilespmem:s10+$0xCCB0]  }
0x17d: {  	[tilespmem:s10+$0xCF0] =	vst.add.f32.msk $0xffff, v0  }
0x17e: {  	v0 =	vld [tilespmem:s10+$0xCCC0]  }
0x17f: {  	v5 =	vld [tilespmem:s10+$0xCCD0]  }
0x180: {  	v6 =	vld [tilespmem:s10+$0xCCE0]  }
0x181: {  	[tilespmem:s10+$0xC80] =	vst.add.f32.msk $0xffff, v1  }
0x182: {  	[tilespmem:s10+$0xC90] =	vst.add.f32.msk $0xffff, v2  }
.Ltmp12:
0x183: {  	[tilespmem:s10+$0xCA0] =	vst.add.f32.msk $0xffff, v3;
	(pc) =	sbr.rel @p3 .LBB2_21-.Ltmp12, $4  }
0x184: {  	[tilespmem:s10+$0xCB0] =	vst.add.f32.msk $0xffff, v4  }
0x185: {  	[tilespmem:s10+$0xCC0] =	vst.add.f32.msk $0xffff, v0  }
0x186: {  	[tilespmem:s10+$0xCD0] =	vst.add.f32.msk $0xffff, v5  }
0x187: {  	[tilespmem:s10+$0xCE0] =	vst.add.f32.msk $0xffff, v6;
	s10 =	sshra.s32 s11, $0x2;
	s11 =	sadd.s32 $0x200, s11  }
0x188: {  	v0 =	vld [tilespmem:s10+$0xCCF0]  }
0x189: {  	v1 =	vld [tilespmem:s10+$0xCC80]  }
0x18a: {  	v2 =	vld [tilespmem:s10+$0xCC90]  }
0x18b: {  	v3 =	vld [tilespmem:s10+$0xCCA0]  }
0x18c: {  	v4 =	vld [tilespmem:s10+$0xCCB0]  }
0x18d: {  	v63 =	vld [tilespmem:s10+$0xCCC0]  }
0x18e: {  	v5 =	vld [tilespmem:s10+$0xCCD0]  }
0x18f: {  	v6 =	vld [tilespmem:s10+$0xCCE0]  }
0x190: {  	[tilespmem:s10+$0xCF0] =	vst.add.f32.msk $0xffff, v0  }
0x191: {  	[tilespmem:s10+$0xC80] =	vst.add.f32.msk $0xffff, v1  }
0x192: {  	[tilespmem:s10+$0xC90] =	vst.add.f32.msk $0xffff, v2  }
0x193: {  	[tilespmem:s10+$0xCA0] =	vst.add.f32.msk $0xffff, v3  }
0x194: {  	[tilespmem:s10+$0xCB0] =	vst.add.f32.msk $0xffff, v4  }
0x195: {  	[tilespmem:s10+$0xCC0] =	vst.add.f32.msk $0xffff, v63  }
0x196: {  	[tilespmem:s10+$0xCD0] =	vst.add.f32.msk $0xffff, v5  }
.Ltmp13:
0x197: {  	s18 =	rddreg [dreg:$0xf];
	[tilespmem:s10+$0xCE0] =	vst.add.f32.msk $0xffff, v6;
	(pc) =	sbr.rel .LBB2_23-.Ltmp13, $4  }
0x198: {  	[hbm4b:s18+s6] =	stream.linear.scatter [tilespmem:s23], [sflag:$0x7], $0x1000, $0x38;
	[tilespmem:$0x18C80] =	vst v63  }
0x199: {  	_ =	swait.ge [sflag:s7], $0x1000  }
0x19a: {  	[sflag:s7] =	ssyncset.done $0x0  }
0x19b: {  	[sflag:s7] =	ssyncadd.s32 $0xFFFFF000  }
.LBB2_24:
0x19c: {  	_ =	sfence.sel $0x180000  }
0x19d: {  	[bflag:$0x0] =	sbarrier.arrive $0xFFFF  }
0x19e: {  	_ =	strace $0x90000047  }
0x19f: {  	s0 =	stileid.u32;
	[bflag:$0x2] =	sbarrier.arrive $0xFFFF  }
0x1a0: {  	p0 =	sne.s32 s0, $0x0;
	s0 =	rddreg [dreg:$0x4]  }
0x1a1: {  	s0 =	sadd.s32 @!p0 $0x100000, s0  }
0x1a2: {  	[sflag:s0] =	ssyncadd.tile.s32 @!p0 $0x1;
	_ =	shalt  }
.Lfunc_end2:
_tile_overlayer_lowered:
.L_overlay_start_2:
0x1a3: {  	(tag) =	ssettag $0x2  }
0x1a4: {  	s0 =	rddreg [dreg:$0x0];
	s2 =	stileid.u32  }
0x1a5: {  	s1 =	rddreg [dreg:$0x1];
	p0 =	sne.s32 s2, $0x0  }
0x1a6: {  	s3 =	rddreg [dreg:$0x2];
	[bflag:$0x3] =	sbarrier.arrive $0xFFFF;
	s2 =	simm.s32 @!p0 $0x1C07  }
0x1a7: {  	[timem:s3], [sflag:s2] =	dma.local @!p0 [hbm:s0], s1  }
0x1a8: {  	s0 =	simm.s32 @!p0 $0x7  }
0x1a9: {  	_ =	swait.ge @!p0 [sflag:s0], s1  }
0x1aa: {  	s1 =	ssub.s32 @!p0 $0x0, s1;
	[sflag:s0] =	ssyncset.done @!p0 $0x0  }
0x1ab: {  	[sflag:s0] =	ssyncadd.s32 @!p0 s1  }
0x1ac: {  	[bflag:$0x3] =	sbarrier.arrive $0xFFFF  }
0x1ad: {  	_ =	shalt  }

</sc_bundles>
